<compile_context>
chip_gen: v7x
topology: tpu7x:2x2x1
jax: 0.10.2.dev20260603
libtpu: 0.0.44.dev20260713+nightly
codegen_flags: <defaults>
</compile_context>

<pallas_src>
import functools

import jax
import jax.numpy as jnp
from jax import lax
from jax.experimental import pallas as pl
from jax.experimental.pallas import tpu as pltpu
from jax.experimental.pallas import tpu_sc as plsc

_NC = 2
_NS = 16
_NW = _NC * _NS
_L = 16


_CH = 128


def _build_sc(B, Dc, Dr, Db, TW, off_r, off_b):
    BPW = B // _NW
    NCHK = BPW // _CH
    NG = _CH // _L
    mesh = plsc.VectorSubcoreMesh(core_axis_name="c", subcore_axis_name="s")

    @functools.partial(
        pl.kernel,
        mesh=mesh,
        compiler_params=pltpu.CompilerParams(
            needs_layout_passes=False, use_tc_tiling_on_sc=True,
            skip_device_barrier=True),
        out_type=(
            jax.ShapeDtypeStruct((B, Dc), jnp.float32),
            jax.ShapeDtypeStruct((B, Dr), jnp.float32),
            jax.ShapeDtypeStruct((B, Db), jnp.float32),
        ),
        scratch_types=[
            pltpu.VMEM((3 * BPW,), jnp.int32),
            pltpu.VMEM((TW,), jnp.float32),
            [pltpu.VMEM((_CH, Dc), jnp.float32) for _ in range(2)],
            [pltpu.VMEM((_CH, Dr), jnp.float32) for _ in range(2)],
            [pltpu.VMEM((_CH, Db), jnp.float32) for _ in range(2)],
            pltpu.SemaphoreType.DMA,
            [pltpu.SemaphoreType.DMA for _ in range(2)],
        ],
    )
    def sc_kernel(xi_hbm, tab_hbm,
                  out_c, out_r, out_b,
                  idx_v, tab_v, rc_v, rr_v, rb_v,
                  sem_in, sem_out):
        wid = lax.axis_index("s") * _NC + lax.axis_index("c")
        base = wid * BPW

        cps_in = [
            pltpu.async_copy(tab_hbm, tab_v, sem_in),
            pltpu.async_copy(
                xi_hbm.at[pl.ds(base, BPW)], idx_v.at[pl.ds(0, BPW)],
                sem_in),
            pltpu.async_copy(
                xi_hbm.at[pl.ds(B + base, BPW)],
                idx_v.at[pl.ds(BPW, BPW)], sem_in),
            pltpu.async_copy(
                xi_hbm.at[pl.ds(2 * B + base, BPW)],
                idx_v.at[pl.ds(2 * BPW, BPW)], sem_in),
        ]
        for cp in cps_in:
            cp.wait()

        iota = jnp.arange(_L, dtype=jnp.int32)
        pending = [None, None]

        for k in range(NCHK):
            pb = k % 2
            if pending[pb] is not None:
                for cp in pending[pb]:
                    cp.wait()
            rc, rr, rb = rc_v[pb], rr_v[pb], rb_v[pb]

            def group(g, carry, k=k, rc=rc, rr=rr, rb=rb):
                rows = g * _L + iota
                ic = idx_v[pl.ds(k * _CH + g * _L, _L)]
                ir = idx_v[pl.ds(BPW + k * _CH + g * _L, _L)]
                ib = idx_v[pl.ds(2 * BPW + k * _CH + g * _L, _L)]
                oc = ic * Dc
                orr = ir * Dr + off_r
                ob = ib * Db + off_b
                for d in range(Dc):
                    v = plsc.load_gather(tab_v, [oc + d])
                    plsc.store_scatter(
                        rc, [rows, jnp.full((_L,), d, jnp.int32)], v)
                for d in range(Dr):
                    v = plsc.load_gather(tab_v, [orr + d])
                    plsc.store_scatter(
                        rr, [rows, jnp.full((_L,), d, jnp.int32)], v)
                for d in range(Db):
                    v = plsc.load_gather(tab_v, [ob + d])
                    plsc.store_scatter(
                        rb, [rows, jnp.full((_L,), d, jnp.int32)], v)
                return carry

            lax.fori_loop(0, NG, group, 0)

            row_sl = pl.ds(base + k * _CH, _CH)
            pending[pb] = [
                pltpu.async_copy(rc, out_c.at[row_sl], sem_out[pb]),
                pltpu.async_copy(rr, out_r.at[row_sl], sem_out[pb]),
                pltpu.async_copy(rb, out_b.at[row_sl], sem_out[pb]),
            ]

        for cps in pending:
            if cps is not None:
                for cp in cps:
                    cp.wait()

    return sc_kernel


def _states_body(x_ref, o_ref):
    o_ref[...] = x_ref[:, 3:]


def _states_tc(x, S):
    B, F = x.shape
    blk = 2048
    return pl.pallas_call(
        _states_body,
        grid=(B // blk,),
        in_specs=[pl.BlockSpec((blk, F), lambda i: (i, 0))],
        out_specs=pl.BlockSpec((blk, S), lambda i: (i, 0)),
        out_shape=jax.ShapeDtypeStruct((B, S), jnp.float32),
    )(x)


def kernel(x, W_char, W_role, W_buff):
    B, F = x.shape
    S = F - 3
    Dc = W_char.shape[1]
    Dr = W_role.shape[1]
    Db = W_buff.shape[1]

    nc = W_char.size
    nr = W_role.size
    nb = W_buff.size
    off_r = -(-nc // 128) * 128
    off_b = off_r + -(-nr // 128) * 128
    TW = off_b + -(-nb // 128) * 128

    xi = jnp.concatenate([
        x[:, 0].astype(jnp.int32),
        x[:, 1].astype(jnp.int32),
        x[:, 2].astype(jnp.int32)])
    tab = jnp.zeros((TW,), jnp.float32)
    tab = tab.at[:nc].set(W_char.reshape(-1))
    tab = tab.at[off_r:off_r + nr].set(W_role.reshape(-1))
    tab = tab.at[off_b:off_b + nb].set(W_buff.reshape(-1))

    out_c, out_r, out_b = _build_sc(B, Dc, Dr, Db, TW, off_r, off_b)(xi, tab)
    out_s = x[:, 3:]
    return (out_c, out_r, out_b, out_s)

# --- scband reference (transcript-rebuilt; emitter-appended) ---
"""Pipeline reference for scband-agent-embedding-net-24309514895635 (READ-ONLY COPY).

The authoritative reference and input builder live on the scoring server;
editing this copy changes nothing except your own understanding.
"""

import jax, jax.numpy as jnp
import numpy as np

B = 16384

def setup_inputs(seed: int = 0) -> dict:
    key = jax.random.key(seed)
    k1, k2, k3, k4 = jax.random.split(key, 4)
    # x: float32[B, 76]; cols 0..2 are integer-valued index columns, cols 3: are state features
    x = jax.random.randint(k1, (B, 76), 0, 8).astype(jnp.float32)
    # learned embedding tables sized per the torch module
    W_char = jax.random.normal(k2, (100, 16), dtype=jnp.float32)
    W_role = jax.random.normal(k3, (8, 8), dtype=jnp.float32)
    W_buff = jax.random.normal(k4, (50, 6), dtype=jnp.float32)
    return {"x": x, "W_char": W_char, "W_role": W_role, "W_buff": W_buff}

def reference(x, W_char, W_role, W_buff):
    char_idx = x[:, 0].astype(jnp.int32)
    role_idx = x[:, 1].astype(jnp.int32)
    buff_idx = x[:, 2].astype(jnp.int32)
    my_character_type = jnp.take(W_char, char_idx, axis=0)
    my_role_type = jnp.take(W_role, role_idx, axis=0)
    my_buff_type = jnp.take(W_buff, buff_idx, axis=0)
    my_states = x[:, 3:].astype(jnp.float32)
    return (my_character_type, my_role_type, my_buff_type, my_states)

if __name__ == "__main__":
    import jax
    _d = setup_inputs()
    print(jax.jit(kernel)(*tuple(_d.values())))

</pallas_src>

<mosaic_0001>
#map = affine_map<(d0, d1) -> (0)>
#map1 = affine_map<(d0, d1) -> (0, 0)>
module attributes {stable_mosaic.version = 14 : i64} {
  func.func @sc_kernel(%arg0: i32, %arg1: i32, %arg2: memref<49152xi32, #tpu.memory_space<hbm>>, %arg3: memref<2176xf32, #tpu.memory_space<hbm>>, %arg4: memref<16384x16xf32, #tpu.memory_space<hbm>>, %arg5: memref<16384x8xf32, #tpu.memory_space<hbm>>, %arg6: memref<16384x6xf32, #tpu.memory_space<hbm>>, %arg7: memref<1536xi32, #tpu.memory_space<vmem>>, %arg8: memref<2176xf32, #tpu.memory_space<vmem>>, %arg9: memref<128x16xf32, #tpu.memory_space<vmem>>, %arg10: memref<128x16xf32, #tpu.memory_space<vmem>>, %arg11: memref<128x8xf32, #tpu.memory_space<vmem>>, %arg12: memref<128x8xf32, #tpu.memory_space<vmem>>, %arg13: memref<128x6xf32, #tpu.memory_space<vmem>>, %arg14: memref<128x6xf32, #tpu.memory_space<vmem>>, %arg15: memref<!tpu.dma_semaphore, #tpu.memory_space<semaphore_mem>>, %arg16: memref<!tpu.dma_semaphore, #tpu.memory_space<semaphore_mem>>, %arg17: memref<!tpu.dma_semaphore, #tpu.memory_space<semaphore_mem>>) attributes {dimension_semantics = [#tpu.dimension_semantics<core_parallel>, #tpu.dimension_semantics<subcore_parallel>], iteration_bounds = array<i64: 2, 16>, scalar_prefetch = 0 : i64, scratch_operands = 11 : i64, tpu.core_type = #tpu.core_type<sc_vector_subcore>, window_params = [{transform_indices = #map}, {transform_indices = #map}, {transform_indices = #map1}, {transform_indices = #map1}, {transform_indices = #map1}]} {
    %mul3A = arith.constant 2 : i32
    %mul3A_0 = arith.muli %arg1, %mul3A : i32
    %add3A = arith.addi %mul3A_0, %arg0 : i32
    %mul3A_1 = arith.constant 512 : i32
    %mul3A_2 = arith.muli %add3A, %mul3A_1 : i32
    tpu.enqueue_dma source(%arg3 : memref<2176xf32, #tpu.memory_space<hbm>>) target(%arg8 : memref<2176xf32, #tpu.memory_space<vmem>>) target_semaphore(%arg15 : memref<!tpu.dma_semaphore, #tpu.memory_space<semaphore_mem>>)
    %dma_start3A = arith.constant 0 : i32
    %dma_start3A_3 = tpu.memref_slice %arg7[%dma_start3A] : memref<1536xi32, #tpu.memory_space<vmem>> -> memref<512xi32, #tpu.memory_space<vmem>>
    %dma_start3A_4 = tpu.memref_slice %arg2[%mul3A_2] : memref<49152xi32, #tpu.memory_space<hbm>> -> memref<512xi32, #tpu.memory_space<hbm>>
    %dma_start3A_5 = arith.constant 0 : i32
    %dma_start3A_6 = tpu.memref_slice %arg7[%dma_start3A_5] : memref<1536xi32, #tpu.memory_space<vmem>> -> memref<512xi32, #tpu.memory_space<vmem>>
    %dma_start3A_7 = tpu.memref_slice %arg2[%mul3A_2] : memref<49152xi32, #tpu.memory_space<hbm>> -> memref<512xi32, #tpu.memory_space<hbm>>
    tpu.enqueue_dma source(%dma_start3A_7 : memref<512xi32, #tpu.memory_space<hbm>>) target(%dma_start3A_6 : memref<512xi32, #tpu.memory_space<vmem>>) target_semaphore(%arg15 : memref<!tpu.dma_semaphore, #tpu.memory_space<semaphore_mem>>)
    %add3A_8 = arith.constant 16384 : i32
    %add3A_9 = arith.addi %add3A_8, %mul3A_2 : i32
    %dma_start3A_10 = arith.constant 512 : i32
    %dma_start3A_11 = tpu.memref_slice %arg7[%dma_start3A_10] : memref<1536xi32, #tpu.memory_space<vmem>> -> memref<512xi32, #tpu.memory_space<vmem>>
    %dma_start3A_12 = tpu.memref_slice %arg2[%add3A_9] : memref<49152xi32, #tpu.memory_space<hbm>> -> memref<512xi32, #tpu.memory_space<hbm>>
    %dma_start3A_13 = arith.constant 512 : i32
    %dma_start3A_14 = tpu.memref_slice %arg7[%dma_start3A_13] : memref<1536xi32, #tpu.memory_space<vmem>> -> memref<512xi32, #tpu.memory_space<vmem>>
    %dma_start3A_15 = tpu.memref_slice %arg2[%add3A_9] : memref<49152xi32, #tpu.memory_space<hbm>> -> memref<512xi32, #tpu.memory_space<hbm>>
    tpu.enqueue_dma source(%dma_start3A_15 : memref<512xi32, #tpu.memory_space<hbm>>) target(%dma_start3A_14 : memref<512xi32, #tpu.memory_space<vmem>>) target_semaphore(%arg15 : memref<!tpu.dma_semaphore, #tpu.memory_space<semaphore_mem>>)
    %add3A_16 = arith.constant 32768 : i32
    %add3A_17 = arith.addi %add3A_16, %mul3A_2 : i32
    %dma_start3A_18 = arith.constant 1024 : i32
    %dma_start3A_19 = tpu.memref_slice %arg7[%dma_start3A_18] : memref<1536xi32, #tpu.memory_space<vmem>> -> memref<512xi32, #tpu.memory_space<vmem>>
    %dma_start3A_20 = tpu.memref_slice %arg2[%add3A_17] : memref<49152xi32, #tpu.memory_space<hbm>> -> memref<512xi32, #tpu.memory_space<hbm>>
    %dma_start3A_21 = arith.constant 1024 : i32
    %dma_start3A_22 = tpu.memref_slice %arg7[%dma_start3A_21] : memref<1536xi32, #tpu.memory_space<vmem>> -> memref<512xi32, #tpu.memory_space<vmem>>
    %dma_start3A_23 = tpu.memref_slice %arg2[%add3A_17] : memref<49152xi32, #tpu.memory_space<hbm>> -> memref<512xi32, #tpu.memory_space<hbm>>
    tpu.enqueue_dma source(%dma_start3A_23 : memref<512xi32, #tpu.memory_space<hbm>>) target(%dma_start3A_22 : memref<512xi32, #tpu.memory_space<vmem>>) target_semaphore(%arg15 : memref<!tpu.dma_semaphore, #tpu.memory_space<semaphore_mem>>)
    tpu.wait_dma2 semaphore(%arg15 : memref<!tpu.dma_semaphore, #tpu.memory_space<semaphore_mem>>) src(%arg3 : memref<2176xf32, #tpu.memory_space<hbm>>) dst(%arg8 : memref<2176xf32, #tpu.memory_space<vmem>>)
    %dma_wait3A = arith.constant 0 : i32
    %dma_wait3A_24 = tpu.memref_slice %arg7[%dma_wait3A] : memref<1536xi32, #tpu.memory_space<vmem>> -> memref<512xi32, #tpu.memory_space<vmem>>
    %dma_wait3A_25 = tpu.memref_slice %arg2[%mul3A_2] : memref<49152xi32, #tpu.memory_space<hbm>> -> memref<512xi32, #tpu.memory_space<hbm>>
    %dma_wait3A_26 = arith.constant 0 : i32
    %dma_wait3A_27 = tpu.memref_slice %arg7[%dma_wait3A_26] : memref<1536xi32, #tpu.memory_space<vmem>> -> memref<512xi32, #tpu.memory_space<vmem>>
    %dma_wait3A_28 = tpu.memref_slice %arg2[%mul3A_2] : memref<49152xi32, #tpu.memory_space<hbm>> -> memref<512xi32, #tpu.memory_space<hbm>>
    tpu.wait_dma2 semaphore(%arg15 : memref<!tpu.dma_semaphore, #tpu.memory_space<semaphore_mem>>) src(%dma_wait3A_28 : memref<512xi32, #tpu.memory_space<hbm>>) dst(%dma_wait3A_27 : memref<512xi32, #tpu.memory_space<vmem>>)
    %dma_wait3A_29 = arith.constant 512 : i32
    %dma_wait3A_30 = tpu.memref_slice %arg7[%dma_wait3A_29] : memref<1536xi32, #tpu.memory_space<vmem>> -> memref<512xi32, #tpu.memory_space<vmem>>
    %dma_wait3A_31 = tpu.memref_slice %arg2[%add3A_9] : memref<49152xi32, #tpu.memory_space<hbm>> -> memref<512xi32, #tpu.memory_space<hbm>>
    %dma_wait3A_32 = arith.constant 512 : i32
    %dma_wait3A_33 = tpu.memref_slice %arg7[%dma_wait3A_32] : memref<1536xi32, #tpu.memory_space<vmem>> -> memref<512xi32, #tpu.memory_space<vmem>>
    %dma_wait3A_34 = tpu.memref_slice %arg2[%add3A_9] : memref<49152xi32, #tpu.memory_space<hbm>> -> memref<512xi32, #tpu.memory_space<hbm>>
    tpu.wait_dma2 semaphore(%arg15 : memref<!tpu.dma_semaphore, #tpu.memory_space<semaphore_mem>>) src(%dma_wait3A_34 : memref<512xi32, #tpu.memory_space<hbm>>) dst(%dma_wait3A_33 : memref<512xi32, #tpu.memory_space<vmem>>)
    %dma_wait3A_35 = arith.constant 1024 : i32
    %dma_wait3A_36 = tpu.memref_slice %arg7[%dma_wait3A_35] : memref<1536xi32, #tpu.memory_space<vmem>> -> memref<512xi32, #tpu.memory_space<vmem>>
    %dma_wait3A_37 = tpu.memref_slice %arg2[%add3A_17] : memref<49152xi32, #tpu.memory_space<hbm>> -> memref<512xi32, #tpu.memory_space<hbm>>
    %dma_wait3A_38 = arith.constant 1024 : i32
    %dma_wait3A_39 = tpu.memref_slice %arg7[%dma_wait3A_38] : memref<1536xi32, #tpu.memory_space<vmem>> -> memref<512xi32, #tpu.memory_space<vmem>>
    %dma_wait3A_40 = tpu.memref_slice %arg2[%add3A_17] : memref<49152xi32, #tpu.memory_space<hbm>> -> memref<512xi32, #tpu.memory_space<hbm>>
    tpu.wait_dma2 semaphore(%arg15 : memref<!tpu.dma_semaphore, #tpu.memory_space<semaphore_mem>>) src(%dma_wait3A_40 : memref<512xi32, #tpu.memory_space<hbm>>) dst(%dma_wait3A_39 : memref<512xi32, #tpu.memory_space<vmem>>)
    %iota3A = tpu.iota {dimensions = array<i32: 0>} : vector<16xi32>
    %scan3A = arith.constant 0 : i32
    %scan3A_41 = arith.constant 0 : i32
    %scan3A_42 = arith.constant 8 : i32
    %scan3A_43 = arith.addi %scan3A_41, %scan3A_42 : i32
    %scan3A_44 = arith.constant 1 : i32
    scf.for %scan3A_168 = %scan3A_41 to %scan3A_43 step %scan3A_44  : i32 {
      %mul3A_169 = arith.constant 16 : i32
      %mul3A_170 = arith.muli %scan3A_168, %mul3A_169 : i32
      %add3A_171 = vector.broadcast %mul3A_170 : i32 to vector<16xi32>
      %add3A_172 = arith.addi %add3A_171, %iota3A : vector<16xi32>
      %mul3A_173 = arith.constant 16 : i32
      %mul3A_174 = arith.muli %scan3A_168, %mul3A_173 : i32
      %add3A_175 = arith.constant 0 : i32
      %add3A_176 = arith.addi %add3A_175, %mul3A_174 : i32
      %get3A = arith.index_cast %add3A_176 : i32 to index
      %get3A_177 = tpu.vector_load %arg7[%get3A] {strides = array<i32>} : memref<1536xi32, #tpu.memory_space<vmem>>, vector<16xi32>,
      %mul3A_178 = arith.constant 16 : i32
      %mul3A_179 = arith.muli %scan3A_168, %mul3A_178 : i32
      %add3A_180 = arith.constant 512 : i32
      %add3A_181 = arith.addi %add3A_180, %mul3A_179 : i32
      %get3A_182 = arith.index_cast %add3A_181 : i32 to index
      %get3A_183 = tpu.vector_load %arg7[%get3A_182] {strides = array<i32>} : memref<1536xi32, #tpu.memory_space<vmem>>, vector<16xi32>,
      %mul3A_184 = arith.constant 16 : i32
      %mul3A_185 = arith.muli %scan3A_168, %mul3A_184 : i32
      %add3A_186 = arith.constant 1024 : i32
      %add3A_187 = arith.addi %add3A_186, %mul3A_185 : i32
      %get3A_188 = arith.index_cast %add3A_187 : i32 to index
      %get3A_189 = tpu.vector_load %arg7[%get3A_188] {strides = array<i32>} : memref<1536xi32, #tpu.memory_space<vmem>>, vector<16xi32>,
      %mul3A_190 = arith.constant 16 : i32
      %mul3A_191 = vector.broadcast %mul3A_190 : i32 to vector<16xi32>
      %mul3A_192 = arith.muli %get3A_177, %mul3A_191 : vector<16xi32>
      %mul3A_193 = arith.constant 8 : i32
      %mul3A_194 = vector.broadcast %mul3A_193 : i32 to vector<16xi32>
      %mul3A_195 = arith.muli %get3A_183, %mul3A_194 : vector<16xi32>
      %add3A_196 = arith.constant 1664 : i32
      %add3A_197 = vector.broadcast %add3A_196 : i32 to vector<16xi32>
      %add3A_198 = arith.addi %mul3A_195, %add3A_197 : vector<16xi32>
      %mul3A_199 = arith.constant 6 : i32
      %mul3A_200 = vector.broadcast %mul3A_199 : i32 to vector<16xi32>
      %mul3A_201 = arith.muli %get3A_189, %mul3A_200 : vector<16xi32>
      %add3A_202 = arith.constant 1792 : i32
      %add3A_203 = vector.broadcast %add3A_202 : i32 to vector<16xi32>
      %add3A_204 = arith.addi %mul3A_201, %add3A_203 : vector<16xi32>
      %add3A_205 = arith.constant 0 : i32
      %add3A_206 = vector.broadcast %add3A_205 : i32 to vector<16xi32>
      %add3A_207 = arith.addi %mul3A_192, %add3A_206 : vector<16xi32>
      %gather3A = tpu.vector_load_idx %arg8[%add3A_207] : memref<2176xf32, #tpu.memory_space<vmem>>[vector<16xi32>], vector<16xf32>,
      %broadcast_in_dim3A = arith.constant 0 : i32
      %broadcast_in_dim3A_208 = vector.broadcast %broadcast_in_dim3A : i32 to vector<16xi32>
      tpu.vector_store_idx %arg9[%add3A_172, %broadcast_in_dim3A_208], %gather3A : memref<128x16xf32, #tpu.memory_space<vmem>>[vector<16xi32>, vector<16xi32>], vector<16xf32>,
      %add3A_209 = arith.constant 1 : i32
      %add3A_210 = vector.broadcast %add3A_209 : i32 to vector<16xi32>
      %add3A_211 = arith.addi %mul3A_192, %add3A_210 : vector<16xi32>
      %gather3A_212 = tpu.vector_load_idx %arg8[%add3A_211] : memref<2176xf32, #tpu.memory_space<vmem>>[vector<16xi32>], vector<16xf32>,
      %broadcast_in_dim3A_213 = arith.constant 1 : i32
      %broadcast_in_dim3A_214 = vector.broadcast %broadcast_in_dim3A_213 : i32 to vector<16xi32>
      tpu.vector_store_idx %arg9[%add3A_172, %broadcast_in_dim3A_214], %gather3A_212 : memref<128x16xf32, #tpu.memory_space<vmem>>[vector<16xi32>, vector<16xi32>], vector<16xf32>,
      %add3A_215 = arith.constant 2 : i32
      %add3A_216 = vector.broadcast %add3A_215 : i32 to vector<16xi32>
      %add3A_217 = arith.addi %mul3A_192, %add3A_216 : vector<16xi32>
      %gather3A_218 = tpu.vector_load_idx %arg8[%add3A_217] : memref<2176xf32, #tpu.memory_space<vmem>>[vector<16xi32>], vector<16xf32>,
      %broadcast_in_dim3A_219 = arith.constant 2 : i32
      %broadcast_in_dim3A_220 = vector.broadcast %broadcast_in_dim3A_219 : i32 to vector<16xi32>
      tpu.vector_store_idx %arg9[%add3A_172, %broadcast_in_dim3A_220], %gather3A_218 : memref<128x16xf32, #tpu.memory_space<vmem>>[vector<16xi32>, vector<16xi32>], vector<16xf32>,
      %add3A_221 = arith.constant 3 : i32
      %add3A_222 = vector.broadcast %add3A_221 : i32 to vector<16xi32>
      %add3A_223 = arith.addi %mul3A_192, %add3A_222 : vector<16xi32>
      %gather3A_224 = tpu.vector_load_idx %arg8[%add3A_223] : memref<2176xf32, #tpu.memory_space<vmem>>[vector<16xi32>], vector<16xf32>,
      %broadcast_in_dim3A_225 = arith.constant 3 : i32
      %broadcast_in_dim3A_226 = vector.broadcast %broadcast_in_dim3A_225 : i32 to vector<16xi32>
      tpu.vector_store_idx %arg9[%add3A_172, %broadcast_in_dim3A_226], %gather3A_224 : memref<128x16xf32, #tpu.memory_space<vmem>>[vector<16xi32>, vector<16xi32>], vector<16xf32>,
      %add3A_227 = arith.constant 4 : i32
      %add3A_228 = vector.broadcast %add3A_227 : i32 to vector<16xi32>
      %add3A_229 = arith.addi %mul3A_192, %add3A_228 : vector<16xi32>
      %gather3A_230 = tpu.vector_load_idx %arg8[%add3A_229] : memref<2176xf32, #tpu.memory_space<vmem>>[vector<16xi32>], vector<16xf32>,
      %broadcast_in_dim3A_231 = arith.constant 4 : i32
      %broadcast_in_dim3A_232 = vector.broadcast %broadcast_in_dim3A_231 : i32 to vector<16xi32>
      tpu.vector_store_idx %arg9[%add3A_172, %broadcast_in_dim3A_232], %gather3A_230 : memref<128x16xf32, #tpu.memory_space<vmem>>[vector<16xi32>, vector<16xi32>], vector<16xf32>,
      %add3A_233 = arith.constant 5 : i32
      %add3A_234 = vector.broadcast %add3A_233 : i32 to vector<16xi32>
      %add3A_235 = arith.addi %mul3A_192, %add3A_234 : vector<16xi32>
      %gather3A_236 = tpu.vector_load_idx %arg8[%add3A_235] : memref<2176xf32, #tpu.memory_space<vmem>>[vector<16xi32>], vector<16xf32>,
      %broadcast_in_dim3A_237 = arith.constant 5 : i32
      %broadcast_in_dim3A_238 = vector.broadcast %broadcast_in_dim3A_237 : i32 to vector<16xi32>
      tpu.vector_store_idx %arg9[%add3A_172, %broadcast_in_dim3A_238], %gather3A_236 : memref<128x16xf32, #tpu.memory_space<vmem>>[vector<16xi32>, vector<16xi32>], vector<16xf32>,
      %add3A_239 = arith.constant 6 : i32
      %add3A_240 = vector.broadcast %add3A_239 : i32 to vector<16xi32>
      %add3A_241 = arith.addi %mul3A_192, %add3A_240 : vector<16xi32>
      %gather3A_242 = tpu.vector_load_idx %arg8[%add3A_241] : memref<2176xf32, #tpu.memory_space<vmem>>[vector<16xi32>], vector<16xf32>,
      %broadcast_in_dim3A_243 = arith.constant 6 : i32
      %broadcast_in_dim3A_244 = vector.broadcast %broadcast_in_dim3A_243 : i32 to vector<16xi32>
      tpu.vector_store_idx %arg9[%add3A_172, %broadcast_in_dim3A_244], %gather3A_242 : memref<128x16xf32, #tpu.memory_space<vmem>>[vector<16xi32>, vector<16xi32>], vector<16xf32>,
      %add3A_245 = arith.constant 7 : i32
      %add3A_246 = vector.broadcast %add3A_245 : i32 to vector<16xi32>
      %add3A_247 = arith.addi %mul3A_192, %add3A_246 : vector<16xi32>
      %gather3A_248 = tpu.vector_load_idx %arg8[%add3A_247] : memref<2176xf32, #tpu.memory_space<vmem>>[vector<16xi32>], vector<16xf32>,
      %broadcast_in_dim3A_249 = arith.constant 7 : i32
      %broadcast_in_dim3A_250 = vector.broadcast %broadcast_in_dim3A_249 : i32 to vector<16xi32>
      tpu.vector_store_idx %arg9[%add3A_172, %broadcast_in_dim3A_250], %gather3A_248 : memref<128x16xf32, #tpu.memory_space<vmem>>[vector<16xi32>, vector<16xi32>], vector<16xf32>,
      %add3A_251 = arith.constant 8 : i32
      %add3A_252 = vector.broadcast %add3A_251 : i32 to vector<16xi32>
      %add3A_253 = arith.addi %mul3A_192, %add3A_252 : vector<16xi32>
      %gather3A_254 = tpu.vector_load_idx %arg8[%add3A_253] : memref<2176xf32, #tpu.memory_space<vmem>>[vector<16xi32>], vector<16xf32>,
      %broadcast_in_dim3A_255 = arith.constant 8 : i32
      %broadcast_in_dim3A_256 = vector.broadcast %broadcast_in_dim3A_255 : i32 to vector<16xi32>
      tpu.vector_store_idx %arg9[%add3A_172, %broadcast_in_dim3A_256], %gather3A_254 : memref<128x16xf32, #tpu.memory_space<vmem>>[vector<16xi32>, vector<16xi32>], vector<16xf32>,
      %add3A_257 = arith.constant 9 : i32
      %add3A_258 = vector.broadcast %add3A_257 : i32 to vector<16xi32>
      %add3A_259 = arith.addi %mul3A_192, %add3A_258 : vector<16xi32>
      %gather3A_260 = tpu.vector_load_idx %arg8[%add3A_259] : memref<2176xf32, #tpu.memory_space<vmem>>[vector<16xi32>], vector<16xf32>,
      %broadcast_in_dim3A_261 = arith.constant 9 : i32
      %broadcast_in_dim3A_262 = vector.broadcast %broadcast_in_dim3A_261 : i32 to vector<16xi32>
      tpu.vector_store_idx %arg9[%add3A_172, %broadcast_in_dim3A_262], %gather3A_260 : memref<128x16xf32, #tpu.memory_space<vmem>>[vector<16xi32>, vector<16xi32>], vector<16xf32>,
      %add3A_263 = arith.constant 10 : i32
      %add3A_264 = vector.broadcast %add3A_263 : i32 to vector<16xi32>
      %add3A_265 = arith.addi %mul3A_192, %add3A_264 : vector<16xi32>
      %gather3A_266 = tpu.vector_load_idx %arg8[%add3A_265] : memref<2176xf32, #tpu.memory_space<vmem>>[vector<16xi32>], vector<16xf32>,
      %broadcast_in_dim3A_267 = arith.constant 10 : i32
      %broadcast_in_dim3A_268 = vector.broadcast %broadcast_in_dim3A_267 : i32 to vector<16xi32>
      tpu.vector_store_idx %arg9[%add3A_172, %broadcast_in_dim3A_268], %gather3A_266 : memref<128x16xf32, #tpu.memory_space<vmem>>[vector<16xi32>, vector<16xi32>], vector<16xf32>,
      %add3A_269 = arith.constant 11 : i32
      %add3A_270 = vector.broadcast %add3A_269 : i32 to vector<16xi32>
      %add3A_271 = arith.addi %mul3A_192, %add3A_270 : vector<16xi32>
      %gather3A_272 = tpu.vector_load_idx %arg8[%add3A_271] : memref<2176xf32, #tpu.memory_space<vmem>>[vector<16xi32>], vector<16xf32>,
      %broadcast_in_dim3A_273 = arith.constant 11 : i32
      %broadcast_in_dim3A_274 = vector.broadcast %broadcast_in_dim3A_273 : i32 to vector<16xi32>
      tpu.vector_store_idx %arg9[%add3A_172, %broadcast_in_dim3A_274], %gather3A_272 : memref<128x16xf32, #tpu.memory_space<vmem>>[vector<16xi32>, vector<16xi32>], vector<16xf32>,
      %add3A_275 = arith.constant 12 : i32
      %add3A_276 = vector.broadcast %add3A_275 : i32 to vector<16xi32>
      %add3A_277 = arith.addi %mul3A_192, %add3A_276 : vector<16xi32>
      %gather3A_278 = tpu.vector_load_idx %arg8[%add3A_277] : memref<2176xf32, #tpu.memory_space<vmem>>[vector<16xi32>], vector<16xf32>,
      %broadcast_in_dim3A_279 = arith.constant 12 : i32
      %broadcast_in_dim3A_280 = vector.broadcast %broadcast_in_dim3A_279 : i32 to vector<16xi32>
      tpu.vector_store_idx %arg9[%add3A_172, %broadcast_in_dim3A_280], %gather3A_278 : memref<128x16xf32, #tpu.memory_space<vmem>>[vector<16xi32>, vector<16xi32>], vector<16xf32>,
      %add3A_281 = arith.constant 13 : i32
      %add3A_282 = vector.broadcast %add3A_281 : i32 to vector<16xi32>
      %add3A_283 = arith.addi %mul3A_192, %add3A_282 : vector<16xi32>
      %gather3A_284 = tpu.vector_load_idx %arg8[%add3A_283] : memref<2176xf32, #tpu.memory_space<vmem>>[vector<16xi32>], vector<16xf32>,
      %broadcast_in_dim3A_285 = arith.constant 13 : i32
      %broadcast_in_dim3A_286 = vector.broadcast %broadcast_in_dim3A_285 : i32 to vector<16xi32>
      tpu.vector_store_idx %arg9[%add3A_172, %broadcast_in_dim3A_286], %gather3A_284 : memref<128x16xf32, #tpu.memory_space<vmem>>[vector<16xi32>, vector<16xi32>], vector<16xf32>,
      %add3A_287 = arith.constant 14 : i32
      %add3A_288 = vector.broadcast %add3A_287 : i32 to vector<16xi32>
      %add3A_289 = arith.addi %mul3A_192, %add3A_288 : vector<16xi32>
      %gather3A_290 = tpu.vector_load_idx %arg8[%add3A_289] : memref<2176xf32, #tpu.memory_space<vmem>>[vector<16xi32>], vector<16xf32>,
      %broadcast_in_dim3A_291 = arith.constant 14 : i32
      %broadcast_in_dim3A_292 = vector.broadcast %broadcast_in_dim3A_291 : i32 to vector<16xi32>
      tpu.vector_store_idx %arg9[%add3A_172, %broadcast_in_dim3A_292], %gather3A_290 : memref<128x16xf32, #tpu.memory_space<vmem>>[vector<16xi32>, vector<16xi32>], vector<16xf32>,
      %add3A_293 = arith.constant 15 : i32
      %add3A_294 = vector.broadcast %add3A_293 : i32 to vector<16xi32>
      %add3A_295 = arith.addi %mul3A_192, %add3A_294 : vector<16xi32>
      %gather3A_296 = tpu.vector_load_idx %arg8[%add3A_295] : memref<2176xf32, #tpu.memory_space<vmem>>[vector<16xi32>], vector<16xf32>,
      %broadcast_in_dim3A_297 = arith.constant 15 : i32
      %broadcast_in_dim3A_298 = vector.broadcast %broadcast_in_dim3A_297 : i32 to vector<16xi32>
      tpu.vector_store_idx %arg9[%add3A_172, %broadcast_in_dim3A_298], %gather3A_296 : memref<128x16xf32, #tpu.memory_space<vmem>>[vector<16xi32>, vector<16xi32>], vector<16xf32>,
      %add3A_299 = arith.constant 0 : i32
      %add3A_300 = vector.broadcast %add3A_299 : i32 to vector<16xi32>
      %add3A_301 = arith.addi %add3A_198, %add3A_300 : vector<16xi32>
      %gather3A_302 = tpu.vector_load_idx %arg8[%add3A_301] : memref<2176xf32, #tpu.memory_space<vmem>>[vector<16xi32>], vector<16xf32>,
      %broadcast_in_dim3A_303 = arith.constant 0 : i32
      %broadcast_in_dim3A_304 = vector.broadcast %broadcast_in_dim3A_303 : i32 to vector<16xi32>
      tpu.vector_store_idx %arg11[%add3A_172, %broadcast_in_dim3A_304], %gather3A_302 : memref<128x8xf32, #tpu.memory_space<vmem>>[vector<16xi32>, vector<16xi32>], vector<16xf32>,
      %add3A_305 = arith.constant 1 : i32
      %add3A_306 = vector.broadcast %add3A_305 : i32 to vector<16xi32>
      %add3A_307 = arith.addi %add3A_198, %add3A_306 : vector<16xi32>
      %gather3A_308 = tpu.vector_load_idx %arg8[%add3A_307] : memref<2176xf32, #tpu.memory_space<vmem>>[vector<16xi32>], vector<16xf32>,
      %broadcast_in_dim3A_309 = arith.constant 1 : i32
      %broadcast_in_dim3A_310 = vector.broadcast %broadcast_in_dim3A_309 : i32 to vector<16xi32>
      tpu.vector_store_idx %arg11[%add3A_172, %broadcast_in_dim3A_310], %gather3A_308 : memref<128x8xf32, #tpu.memory_space<vmem>>[vector<16xi32>, vector<16xi32>], vector<16xf32>,
      %add3A_311 = arith.constant 2 : i32
      %add3A_312 = vector.broadcast %add3A_311 : i32 to vector<16xi32>
      %add3A_313 = arith.addi %add3A_198, %add3A_312 : vector<16xi32>
      %gather3A_314 = tpu.vector_load_idx %arg8[%add3A_313] : memref<2176xf32, #tpu.memory_space<vmem>>[vector<16xi32>], vector<16xf32>,
      %broadcast_in_dim3A_315 = arith.constant 2 : i32
      %broadcast_in_dim3A_316 = vector.broadcast %broadcast_in_dim3A_315 : i32 to vector<16xi32>
      tpu.vector_store_idx %arg11[%add3A_172, %broadcast_in_dim3A_316], %gather3A_314 : memref<128x8xf32, #tpu.memory_space<vmem>>[vector<16xi32>, vector<16xi32>], vector<16xf32>,
      %add3A_317 = arith.constant 3 : i32
      %add3A_318 = vector.broadcast %add3A_317 : i32 to vector<16xi32>
      %add3A_319 = arith.addi %add3A_198, %add3A_318 : vector<16xi32>
      %gather3A_320 = tpu.vector_load_idx %arg8[%add3A_319] : memref<2176xf32, #tpu.memory_space<vmem>>[vector<16xi32>], vector<16xf32>,
      %broadcast_in_dim3A_321 = arith.constant 3 : i32
      %broadcast_in_dim3A_322 = vector.broadcast %broadcast_in_dim3A_321 : i32 to vector<16xi32>
      tpu.vector_store_idx %arg11[%add3A_172, %broadcast_in_dim3A_322], %gather3A_320 : memref<128x8xf32, #tpu.memory_space<vmem>>[vector<16xi32>, vector<16xi32>], vector<16xf32>,
      %add3A_323 = arith.constant 4 : i32
      %add3A_324 = vector.broadcast %add3A_323 : i32 to vector<16xi32>
      %add3A_325 = arith.addi %add3A_198, %add3A_324 : vector<16xi32>
      %gather3A_326 = tpu.vector_load_idx %arg8[%add3A_325] : memref<2176xf32, #tpu.memory_space<vmem>>[vector<16xi32>], vector<16xf32>,
      %broadcast_in_dim3A_327 = arith.constant 4 : i32
      %broadcast_in_dim3A_328 = vector.broadcast %broadcast_in_dim3A_327 : i32 to vector<16xi32>
      tpu.vector_store_idx %arg11[%add3A_172, %broadcast_in_dim3A_328], %gather3A_326 : memref<128x8xf32, #tpu.memory_space<vmem>>[vector<16xi32>, vector<16xi32>], vector<16xf32>,
      %add3A_329 = arith.constant 5 : i32
      %add3A_330 = vector.broadcast %add3A_329 : i32 to vector<16xi32>
      %add3A_331 = arith.addi %add3A_198, %add3A_330 : vector<16xi32>
      %gather3A_332 = tpu.vector_load_idx %arg8[%add3A_331] : memref<2176xf32, #tpu.memory_space<vmem>>[vector<16xi32>], vector<16xf32>,
      %broadcast_in_dim3A_333 = arith.constant 5 : i32
      %broadcast_in_dim3A_334 = vector.broadcast %broadcast_in_dim3A_333 : i32 to vector<16xi32>
      tpu.vector_store_idx %arg11[%add3A_172, %broadcast_in_dim3A_334], %gather3A_332 : memref<128x8xf32, #tpu.memory_space<vmem>>[vector<16xi32>, vector<16xi32>], vector<16xf32>,
      %add3A_335 = arith.constant 6 : i32
      %add3A_336 = vector.broadcast %add3A_335 : i32 to vector<16xi32>
      %add3A_337 = arith.addi %add3A_198, %add3A_336 : vector<16xi32>
      %gather3A_338 = tpu.vector_load_idx %arg8[%add3A_337] : memref<2176xf32, #tpu.memory_space<vmem>>[vector<16xi32>], vector<16xf32>,
      %broadcast_in_dim3A_339 = arith.constant 6 : i32
      %broadcast_in_dim3A_340 = vector.broadcast %broadcast_in_dim3A_339 : i32 to vector<16xi32>
      tpu.vector_store_idx %arg11[%add3A_172, %broadcast_in_dim3A_340], %gather3A_338 : memref<128x8xf32, #tpu.memory_space<vmem>>[vector<16xi32>, vector<16xi32>], vector<16xf32>,
      %add3A_341 = arith.constant 7 : i32
      %add3A_342 = vector.broadcast %add3A_341 : i32 to vector<16xi32>
      %add3A_343 = arith.addi %add3A_198, %add3A_342 : vector<16xi32>
      %gather3A_344 = tpu.vector_load_idx %arg8[%add3A_343] : memref<2176xf32, #tpu.memory_space<vmem>>[vector<16xi32>], vector<16xf32>,
      %broadcast_in_dim3A_345 = arith.constant 7 : i32
      %broadcast_in_dim3A_346 = vector.broadcast %broadcast_in_dim3A_345 : i32 to vector<16xi32>
      tpu.vector_store_idx %arg11[%add3A_172, %broadcast_in_dim3A_346], %gather3A_344 : memref<128x8xf32, #tpu.memory_space<vmem>>[vector<16xi32>, vector<16xi32>], vector<16xf32>,
      %add3A_347 = arith.constant 0 : i32
      %add3A_348 = vector.broadcast %add3A_347 : i32 to vector<16xi32>
      %add3A_349 = arith.addi %add3A_204, %add3A_348 : vector<16xi32>
      %gather3A_350 = tpu.vector_load_idx %arg8[%add3A_349] : memref<2176xf32, #tpu.memory_space<vmem>>[vector<16xi32>], vector<16xf32>,
      %broadcast_in_dim3A_351 = arith.constant 0 : i32
      %broadcast_in_dim3A_352 = vector.broadcast %broadcast_in_dim3A_351 : i32 to vector<16xi32>
      tpu.vector_store_idx %arg13[%add3A_172, %broadcast_in_dim3A_352], %gather3A_350 : memref<128x6xf32, #tpu.memory_space<vmem>>[vector<16xi32>, vector<16xi32>], vector<16xf32>,
      %add3A_353 = arith.constant 1 : i32
      %add3A_354 = vector.broadcast %add3A_353 : i32 to vector<16xi32>
      %add3A_355 = arith.addi %add3A_204, %add3A_354 : vector<16xi32>
      %gather3A_356 = tpu.vector_load_idx %arg8[%add3A_355] : memref<2176xf32, #tpu.memory_space<vmem>>[vector<16xi32>], vector<16xf32>,
      %broadcast_in_dim3A_357 = arith.constant 1 : i32
      %broadcast_in_dim3A_358 = vector.broadcast %broadcast_in_dim3A_357 : i32 to vector<16xi32>
      tpu.vector_store_idx %arg13[%add3A_172, %broadcast_in_dim3A_358], %gather3A_356 : memref<128x6xf32, #tpu.memory_space<vmem>>[vector<16xi32>, vector<16xi32>], vector<16xf32>,
      %add3A_359 = arith.constant 2 : i32
      %add3A_360 = vector.broadcast %add3A_359 : i32 to vector<16xi32>
      %add3A_361 = arith.addi %add3A_204, %add3A_360 : vector<16xi32>
      %gather3A_362 = tpu.vector_load_idx %arg8[%add3A_361] : memref<2176xf32, #tpu.memory_space<vmem>>[vector<16xi32>], vector<16xf32>,
      %broadcast_in_dim3A_363 = arith.constant 2 : i32
      %broadcast_in_dim3A_364 = vector.broadcast %broadcast_in_dim3A_363 : i32 to vector<16xi32>
      tpu.vector_store_idx %arg13[%add3A_172, %broadcast_in_dim3A_364], %gather3A_362 : memref<128x6xf32, #tpu.memory_space<vmem>>[vector<16xi32>, vector<16xi32>], vector<16xf32>,
      %add3A_365 = arith.constant 3 : i32
      %add3A_366 = vector.broadcast %add3A_365 : i32 to vector<16xi32>
      %add3A_367 = arith.addi %add3A_204, %add3A_366 : vector<16xi32>
      %gather3A_368 = tpu.vector_load_idx %arg8[%add3A_367] : memref<2176xf32, #tpu.memory_space<vmem>>[vector<16xi32>], vector<16xf32>,
      %broadcast_in_dim3A_369 = arith.constant 3 : i32
      %broadcast_in_dim3A_370 = vector.broadcast %broadcast_in_dim3A_369 : i32 to vector<16xi32>
      tpu.vector_store_idx %arg13[%add3A_172, %broadcast_in_dim3A_370], %gather3A_368 : memref<128x6xf32, #tpu.memory_space<vmem>>[vector<16xi32>, vector<16xi32>], vector<16xf32>,
      %add3A_371 = arith.constant 4 : i32
      %add3A_372 = vector.broadcast %add3A_371 : i32 to vector<16xi32>
      %add3A_373 = arith.addi %add3A_204, %add3A_372 : vector<16xi32>
      %gather3A_374 = tpu.vector_load_idx %arg8[%add3A_373] : memref<2176xf32, #tpu.memory_space<vmem>>[vector<16xi32>], vector<16xf32>,
      %broadcast_in_dim3A_375 = arith.constant 4 : i32
      %broadcast_in_dim3A_376 = vector.broadcast %broadcast_in_dim3A_375 : i32 to vector<16xi32>
      tpu.vector_store_idx %arg13[%add3A_172, %broadcast_in_dim3A_376], %gather3A_374 : memref<128x6xf32, #tpu.memory_space<vmem>>[vector<16xi32>, vector<16xi32>], vector<16xf32>,
      %add3A_377 = arith.constant 5 : i32
      %add3A_378 = vector.broadcast %add3A_377 : i32 to vector<16xi32>
      %add3A_379 = arith.addi %add3A_204, %add3A_378 : vector<16xi32>
      %gather3A_380 = tpu.vector_load_idx %arg8[%add3A_379] : memref<2176xf32, #tpu.memory_space<vmem>>[vector<16xi32>], vector<16xf32>,
      %broadcast_in_dim3A_381 = arith.constant 5 : i32
      %broadcast_in_dim3A_382 = vector.broadcast %broadcast_in_dim3A_381 : i32 to vector<16xi32>
      tpu.vector_store_idx %arg13[%add3A_172, %broadcast_in_dim3A_382], %gather3A_380 : memref<128x6xf32, #tpu.memory_space<vmem>>[vector<16xi32>, vector<16xi32>], vector<16xf32>,
    }
    %scan3A_45 = arith.constant 8 : i32
    %add3A_46 = arith.constant 0 : i32
    %add3A_47 = arith.addi %mul3A_2, %add3A_46 : i32
    %dma_start3A_48 = arith.constant 0 : i32
    %dma_start3A_49 = tpu.memref_slice %arg4[%add3A_47, %dma_start3A_48] : memref<16384x16xf32, #tpu.memory_space<hbm>> -> memref<128x16xf32, #tpu.memory_space<hbm>>
    %dma_start3A_50 = arith.constant 0 : i32
    %dma_start3A_51 = tpu.memref_slice %arg4[%add3A_47, %dma_start3A_50] : memref<16384x16xf32, #tpu.memory_space<hbm>> -> memref<128x16xf32, #tpu.memory_space<hbm>>
    tpu.enqueue_dma source(%arg9 : memref<128x16xf32, #tpu.memory_space<vmem>>) target(%dma_start3A_51 : memref<128x16xf32, #tpu.memory_space<hbm>>) target_semaphore(%arg16 : memref<!tpu.dma_semaphore, #tpu.memory_space<semaphore_mem>>)
    %dma_start3A_52 = arith.constant 0 : i32
    %dma_start3A_53 = tpu.memref_slice %arg5[%add3A_47, %dma_start3A_52] : memref<16384x8xf32, #tpu.memory_space<hbm>> -> memref<128x8xf32, #tpu.memory_space<hbm>>
    %dma_start3A_54 = arith.constant 0 : i32
    %dma_start3A_55 = tpu.memref_slice %arg5[%add3A_47, %dma_start3A_54] : memref<16384x8xf32, #tpu.memory_space<hbm>> -> memref<128x8xf32, #tpu.memory_space<hbm>>
    tpu.enqueue_dma source(%arg11 : memref<128x8xf32, #tpu.memory_space<vmem>>) target(%dma_start3A_55 : memref<128x8xf32, #tpu.memory_space<hbm>>) target_semaphore(%arg16 : memref<!tpu.dma_semaphore, #tpu.memory_space<semaphore_mem>>)
    %dma_start3A_56 = arith.constant 0 : i32
    %dma_start3A_57 = tpu.memref_slice %arg6[%add3A_47, %dma_start3A_56] : memref<16384x6xf32, #tpu.memory_space<hbm>> -> memref<128x6xf32, #tpu.memory_space<hbm>>
    %dma_start3A_58 = arith.constant 0 : i32
    %dma_start3A_59 = tpu.memref_slice %arg6[%add3A_47, %dma_start3A_58] : memref<16384x6xf32, #tpu.memory_space<hbm>> -> memref<128x6xf32, #tpu.memory_space<hbm>>
    tpu.enqueue_dma source(%arg13 : memref<128x6xf32, #tpu.memory_space<vmem>>) target(%dma_start3A_59 : memref<128x6xf32, #tpu.memory_space<hbm>>) target_semaphore(%arg16 : memref<!tpu.dma_semaphore, #tpu.memory_space<semaphore_mem>>)
    %scan3A_60 = arith.constant 0 : i32
    %scan3A_61 = arith.constant 0 : i32
    %scan3A_62 = arith.constant 8 : i32
    %scan3A_63 = arith.addi %scan3A_61, %scan3A_62 : i32
    %scan3A_64 = arith.constant 1 : i32
    scf.for %scan3A_168 = %scan3A_61 to %scan3A_63 step %scan3A_64  : i32 {
      %mul3A_169 = arith.constant 16 : i32
      %mul3A_170 = arith.muli %scan3A_168, %mul3A_169 : i32
      %add3A_171 = vector.broadcast %mul3A_170 : i32 to vector<16xi32>
      %add3A_172 = arith.addi %add3A_171, %iota3A : vector<16xi32>
      %mul3A_173 = arith.constant 16 : i32
      %mul3A_174 = arith.muli %scan3A_168, %mul3A_173 : i32
      %add3A_175 = arith.constant 128 : i32
      %add3A_176 = arith.addi %add3A_175, %mul3A_174 : i32
      %get3A = arith.index_cast %add3A_176 : i32 to index
      %get3A_177 = tpu.vector_load %arg7[%get3A] {strides = array<i32>} : memref<1536xi32, #tpu.memory_space<vmem>>, vector<16xi32>,
      %mul3A_178 = arith.constant 16 : i32
      %mul3A_179 = arith.muli %scan3A_168, %mul3A_178 : i32
      %add3A_180 = arith.constant 640 : i32
      %add3A_181 = arith.addi %add3A_180, %mul3A_179 : i32
      %get3A_182 = arith.index_cast %add3A_181 : i32 to index
      %get3A_183 = tpu.vector_load %arg7[%get3A_182] {strides = array<i32>} : memref<1536xi32, #tpu.memory_space<vmem>>, vector<16xi32>,
      %mul3A_184 = arith.constant 16 : i32
      %mul3A_185 = arith.muli %scan3A_168, %mul3A_184 : i32
      %add3A_186 = arith.constant 1152 : i32
      %add3A_187 = arith.addi %add3A_186, %mul3A_185 : i32
      %get3A_188 = arith.index_cast %add3A_187 : i32 to index
      %get3A_189 = tpu.vector_load %arg7[%get3A_188] {strides = array<i32>} : memref<1536xi32, #tpu.memory_space<vmem>>, vector<16xi32>,
      %mul3A_190 = arith.constant 16 : i32
      %mul3A_191 = vector.broadcast %mul3A_190 : i32 to vector<16xi32>
      %mul3A_192 = arith.muli %get3A_177, %mul3A_191 : vector<16xi32>
      %mul3A_193 = arith.constant 8 : i32
      %mul3A_194 = vector.broadcast %mul3A_193 : i32 to vector<16xi32>
      %mul3A_195 = arith.muli %get3A_183, %mul3A_194 : vector<16xi32>
      %add3A_196 = arith.constant 1664 : i32
      %add3A_197 = vector.broadcast %add3A_196 : i32 to vector<16xi32>
      %add3A_198 = arith.addi %mul3A_195, %add3A_197 : vector<16xi32>
      %mul3A_199 = arith.constant 6 : i32
      %mul3A_200 = vector.broadcast %mul3A_199 : i32 to vector<16xi32>
      %mul3A_201 = arith.muli %get3A_189, %mul3A_200 : vector<16xi32>
      %add3A_202 = arith.constant 1792 : i32
      %add3A_203 = vector.broadcast %add3A_202 : i32 to vector<16xi32>
      %add3A_204 = arith.addi %mul3A_201, %add3A_203 : vector<16xi32>
      %add3A_205 = arith.constant 0 : i32
      %add3A_206 = vector.broadcast %add3A_205 : i32 to vector<16xi32>
      %add3A_207 = arith.addi %mul3A_192, %add3A_206 : vector<16xi32>
      %gather3A = tpu.vector_load_idx %arg8[%add3A_207] : memref<2176xf32, #tpu.memory_space<vmem>>[vector<16xi32>], vector<16xf32>,
      %broadcast_in_dim3A = arith.constant 0 : i32
      %broadcast_in_dim3A_208 = vector.broadcast %broadcast_in_dim3A : i32 to vector<16xi32>
      tpu.vector_store_idx %arg10[%add3A_172, %broadcast_in_dim3A_208], %gather3A : memref<128x16xf32, #tpu.memory_space<vmem>>[vector<16xi32>, vector<16xi32>], vector<16xf32>,
      %add3A_209 = arith.constant 1 : i32
      %add3A_210 = vector.broadcast %add3A_209 : i32 to vector<16xi32>
      %add3A_211 = arith.addi %mul3A_192, %add3A_210 : vector<16xi32>
      %gather3A_212 = tpu.vector_load_idx %arg8[%add3A_211] : memref<2176xf32, #tpu.memory_space<vmem>>[vector<16xi32>], vector<16xf32>,
      %broadcast_in_dim3A_213 = arith.constant 1 : i32
      %broadcast_in_dim3A_214 = vector.broadcast %broadcast_in_dim3A_213 : i32 to vector<16xi32>
      tpu.vector_store_idx %arg10[%add3A_172, %broadcast_in_dim3A_214], %gather3A_212 : memref<128x16xf32, #tpu.memory_space<vmem>>[vector<16xi32>, vector<16xi32>], vector<16xf32>,
      %add3A_215 = arith.constant 2 : i32
      %add3A_216 = vector.broadcast %add3A_215 : i32 to vector<16xi32>
      %add3A_217 = arith.addi %mul3A_192, %add3A_216 : vector<16xi32>
      %gather3A_218 = tpu.vector_load_idx %arg8[%add3A_217] : memref<2176xf32, #tpu.memory_space<vmem>>[vector<16xi32>], vector<16xf32>,
      %broadcast_in_dim3A_219 = arith.constant 2 : i32
      %broadcast_in_dim3A_220 = vector.broadcast %broadcast_in_dim3A_219 : i32 to vector<16xi32>
      tpu.vector_store_idx %arg10[%add3A_172, %broadcast_in_dim3A_220], %gather3A_218 : memref<128x16xf32, #tpu.memory_space<vmem>>[vector<16xi32>, vector<16xi32>], vector<16xf32>,
      %add3A_221 = arith.constant 3 : i32
      %add3A_222 = vector.broadcast %add3A_221 : i32 to vector<16xi32>
      %add3A_223 = arith.addi %mul3A_192, %add3A_222 : vector<16xi32>
      %gather3A_224 = tpu.vector_load_idx %arg8[%add3A_223] : memref<2176xf32, #tpu.memory_space<vmem>>[vector<16xi32>], vector<16xf32>,
      %broadcast_in_dim3A_225 = arith.constant 3 : i32
      %broadcast_in_dim3A_226 = vector.broadcast %broadcast_in_dim3A_225 : i32 to vector<16xi32>
      tpu.vector_store_idx %arg10[%add3A_172, %broadcast_in_dim3A_226], %gather3A_224 : memref<128x16xf32, #tpu.memory_space<vmem>>[vector<16xi32>, vector<16xi32>], vector<16xf32>,
      %add3A_227 = arith.constant 4 : i32
      %add3A_228 = vector.broadcast %add3A_227 : i32 to vector<16xi32>
      %add3A_229 = arith.addi %mul3A_192, %add3A_228 : vector<16xi32>
      %gather3A_230 = tpu.vector_load_idx %arg8[%add3A_229] : memref<2176xf32, #tpu.memory_space<vmem>>[vector<16xi32>], vector<16xf32>,
      %broadcast_in_dim3A_231 = arith.constant 4 : i32
      %broadcast_in_dim3A_232 = vector.broadcast %broadcast_in_dim3A_231 : i32 to vector<16xi32>
      tpu.vector_store_idx %arg10[%add3A_172, %broadcast_in_dim3A_232], %gather3A_230 : memref<128x16xf32, #tpu.memory_space<vmem>>[vector<16xi32>, vector<16xi32>], vector<16xf32>,
      %add3A_233 = arith.constant 5 : i32
      %add3A_234 = vector.broadcast %add3A_233 : i32 to vector<16xi32>
      %add3A_235 = arith.addi %mul3A_192, %add3A_234 : vector<16xi32>
      %gather3A_236 = tpu.vector_load_idx %arg8[%add3A_235] : memref<2176xf32, #tpu.memory_space<vmem>>[vector<16xi32>], vector<16xf32>,
      %broadcast_in_dim3A_237 = arith.constant 5 : i32
      %broadcast_in_dim3A_238 = vector.broadcast %broadcast_in_dim3A_237 : i32 to vector<16xi32>
      tpu.vector_store_idx %arg10[%add3A_172, %broadcast_in_dim3A_238], %gather3A_236 : memref<128x16xf32, #tpu.memory_space<vmem>>[vector<16xi32>, vector<16xi32>], vector<16xf32>,
      %add3A_239 = arith.constant 6 : i32
      %add3A_240 = vector.broadcast %add3A_239 : i32 to vector<16xi32>
      %add3A_241 = arith.addi %mul3A_192, %add3A_240 : vector<16xi32>
      %gather3A_242 = tpu.vector_load_idx %arg8[%add3A_241] : memref<2176xf32, #tpu.memory_space<vmem>>[vector<16xi32>], vector<16xf32>,
      %broadcast_in_dim3A_243 = arith.constant 6 : i32
      %broadcast_in_dim3A_244 = vector.broadcast %broadcast_in_dim3A_243 : i32 to vector<16xi32>
      tpu.vector_store_idx %arg10[%add3A_172, %broadcast_in_dim3A_244], %gather3A_242 : memref<128x16xf32, #tpu.memory_space<vmem>>[vector<16xi32>, vector<16xi32>], vector<16xf32>,
      %add3A_245 = arith.constant 7 : i32
      %add3A_246 = vector.broadcast %add3A_245 : i32 to vector<16xi32>
      %add3A_247 = arith.addi %mul3A_192, %add3A_246 : vector<16xi32>
      %gather3A_248 = tpu.vector_load_idx %arg8[%add3A_247] : memref<2176xf32, #tpu.memory_space<vmem>>[vector<16xi32>], vector<16xf32>,
      %broadcast_in_dim3A_249 = arith.constant 7 : i32
      %broadcast_in_dim3A_250 = vector.broadcast %broadcast_in_dim3A_249 : i32 to vector<16xi32>
      tpu.vector_store_idx %arg10[%add3A_172, %broadcast_in_dim3A_250], %gather3A_248 : memref<128x16xf32, #tpu.memory_space<vmem>>[vector<16xi32>, vector<16xi32>], vector<16xf32>,
      %add3A_251 = arith.constant 8 : i32
      %add3A_252 = vector.broadcast %add3A_251 : i32 to vector<16xi32>
      %add3A_253 = arith.addi %mul3A_192, %add3A_252 : vector<16xi32>
      %gather3A_254 = tpu.vector_load_idx %arg8[%add3A_253] : memref<2176xf32, #tpu.memory_space<vmem>>[vector<16xi32>], vector<16xf32>,
      %broadcast_in_dim3A_255 = arith.constant 8 : i32
      %broadcast_in_dim3A_256 = vector.broadcast %broadcast_in_dim3A_255 : i32 to vector<16xi32>
      tpu.vector_store_idx %arg10[%add3A_172, %broadcast_in_dim3A_256], %gather3A_254 : memref<128x16xf32, #tpu.memory_space<vmem>>[vector<16xi32>, vector<16xi32>], vector<16xf32>,
      %add3A_257 = arith.constant 9 : i32
      %add3A_258 = vector.broadcast %add3A_257 : i32 to vector<16xi32>
      %add3A_259 = arith.addi %mul3A_192, %add3A_258 : vector<16xi32>
      %gather3A_260 = tpu.vector_load_idx %arg8[%add3A_259] : memref<2176xf32, #tpu.memory_space<vmem>>[vector<16xi32>], vector<16xf32>,
      %broadcast_in_dim3A_261 = arith.constant 9 : i32
      %broadcast_in_dim3A_262 = vector.broadcast %broadcast_in_dim3A_261 : i32 to vector<16xi32>
      tpu.vector_store_idx %arg10[%add3A_172, %broadcast_in_dim3A_262], %gather3A_260 : memref<128x16xf32, #tpu.memory_space<vmem>>[vector<16xi32>, vector<16xi32>], vector<16xf32>,
      %add3A_263 = arith.constant 10 : i32
      %add3A_264 = vector.broadcast %add3A_263 : i32 to vector<16xi32>
      %add3A_265 = arith.addi %mul3A_192, %add3A_264 : vector<16xi32>
      %gather3A_266 = tpu.vector_load_idx %arg8[%add3A_265] : memref<2176xf32, #tpu.memory_space<vmem>>[vector<16xi32>], vector<16xf32>,
      %broadcast_in_dim3A_267 = arith.constant 10 : i32
      %broadcast_in_dim3A_268 = vector.broadcast %broadcast_in_dim3A_267 : i32 to vector<16xi32>
      tpu.vector_store_idx %arg10[%add3A_172, %broadcast_in_dim3A_268], %gather3A_266 : memref<128x16xf32, #tpu.memory_space<vmem>>[vector<16xi32>, vector<16xi32>], vector<16xf32>,
      %add3A_269 = arith.constant 11 : i32
      %add3A_270 = vector.broadcast %add3A_269 : i32 to vector<16xi32>
      %add3A_271 = arith.addi %mul3A_192, %add3A_270 : vector<16xi32>
      %gather3A_272 = tpu.vector_load_idx %arg8[%add3A_271] : memref<2176xf32, #tpu.memory_space<vmem>>[vector<16xi32>], vector<16xf32>,
      %broadcast_in_dim3A_273 = arith.constant 11 : i32
      %broadcast_in_dim3A_274 = vector.broadcast %broadcast_in_dim3A_273 : i32 to vector<16xi32>
      tpu.vector_store_idx %arg10[%add3A_172, %broadcast_in_dim3A_274], %gather3A_272 : memref<128x16xf32, #tpu.memory_space<vmem>>[vector<16xi32>, vector<16xi32>], vector<16xf32>,
      %add3A_275 = arith.constant 12 : i32
      %add3A_276 = vector.broadcast %add3A_275 : i32 to vector<16xi32>
      %add3A_277 = arith.addi %mul3A_192, %add3A_276 : vector<16xi32>
      %gather3A_278 = tpu.vector_load_idx %arg8[%add3A_277] : memref<2176xf32, #tpu.memory_space<vmem>>[vector<16xi32>], vector<16xf32>,
      %broadcast_in_dim3A_279 = arith.constant 12 : i32
      %broadcast_in_dim3A_280 = vector.broadcast %broadcast_in_dim3A_279 : i32 to vector<16xi32>
      tpu.vector_store_idx %arg10[%add3A_172, %broadcast_in_dim3A_280], %gather3A_278 : memref<128x16xf32, #tpu.memory_space<vmem>>[vector<16xi32>, vector<16xi32>], vector<16xf32>,
      %add3A_281 = arith.constant 13 : i32
      %add3A_282 = vector.broadcast %add3A_281 : i32 to vector<16xi32>
      %add3A_283 = arith.addi %mul3A_192, %add3A_282 : vector<16xi32>
      %gather3A_284 = tpu.vector_load_idx %arg8[%add3A_283] : memref<2176xf32, #tpu.memory_space<vmem>>[vector<16xi32>], vector<16xf32>,
      %broadcast_in_dim3A_285 = arith.constant 13 : i32
      %broadcast_in_dim3A_286 = vector.broadcast %broadcast_in_dim3A_285 : i32 to vector<16xi32>
      tpu.vector_store_idx %arg10[%add3A_172, %broadcast_in_dim3A_286], %gather3A_284 : memref<128x16xf32, #tpu.memory_space<vmem>>[vector<16xi32>, vector<16xi32>], vector<16xf32>,
      %add3A_287 = arith.constant 14 : i32
      %add3A_288 = vector.broadcast %add3A_287 : i32 to vector<16xi32>
      %add3A_289 = arith.addi %mul3A_192, %add3A_288 : vector<16xi32>
      %gather3A_290 = tpu.vector_load_idx %arg8[%add3A_289] : memref<2176xf32, #tpu.memory_space<vmem>>[vector<16xi32>], vector<16xf32>,
      %broadcast_in_dim3A_291 = arith.constant 14 : i32
      %broadcast_in_dim3A_292 = vector.broadcast %broadcast_in_dim3A_291 : i32 to vector<16xi32>
      tpu.vector_store_idx %arg10[%add3A_172, %broadcast_in_dim3A_292], %gather3A_290 : memref<128x16xf32, #tpu.memory_space<vmem>>[vector<16xi32>, vector<16xi32>], vector<16xf32>,
      %add3A_293 = arith.constant 15 : i32
      %add3A_294 = vector.broadcast %add3A_293 : i32 to vector<16xi32>
      %add3A_295 = arith.addi %mul3A_192, %add3A_294 : vector<16xi32>
      %gather3A_296 = tpu.vector_load_idx %arg8[%add3A_295] : memref<2176xf32, #tpu.memory_space<vmem>>[vector<16xi32>], vector<16xf32>,
      %broadcast_in_dim3A_297 = arith.constant 15 : i32
      %broadcast_in_dim3A_298 = vector.broadcast %broadcast_in_dim3A_297 : i32 to vector<16xi32>
      tpu.vector_store_idx %arg10[%add3A_172, %broadcast_in_dim3A_298], %gather3A_296 : memref<128x16xf32, #tpu.memory_space<vmem>>[vector<16xi32>, vector<16xi32>], vector<16xf32>,
      %add3A_299 = arith.constant 0 : i32
      %add3A_300 = vector.broadcast %add3A_299 : i32 to vector<16xi32>
      %add3A_301 = arith.addi %add3A_198, %add3A_300 : vector<16xi32>
      %gather3A_302 = tpu.vector_load_idx %arg8[%add3A_301] : memref<2176xf32, #tpu.memory_space<vmem>>[vector<16xi32>], vector<16xf32>,
      %broadcast_in_dim3A_303 = arith.constant 0 : i32
      %broadcast_in_dim3A_304 = vector.broadcast %broadcast_in_dim3A_303 : i32 to vector<16xi32>
      tpu.vector_store_idx %arg12[%add3A_172, %broadcast_in_dim3A_304], %gather3A_302 : memref<128x8xf32, #tpu.memory_space<vmem>>[vector<16xi32>, vector<16xi32>], vector<16xf32>,
      %add3A_305 = arith.constant 1 : i32
      %add3A_306 = vector.broadcast %add3A_305 : i32 to vector<16xi32>
      %add3A_307 = arith.addi %add3A_198, %add3A_306 : vector<16xi32>
      %gather3A_308 = tpu.vector_load_idx %arg8[%add3A_307] : memref<2176xf32, #tpu.memory_space<vmem>>[vector<16xi32>], vector<16xf32>,
      %broadcast_in_dim3A_309 = arith.constant 1 : i32
      %broadcast_in_dim3A_310 = vector.broadcast %broadcast_in_dim3A_309 : i32 to vector<16xi32>
      tpu.vector_store_idx %arg12[%add3A_172, %broadcast_in_dim3A_310], %gather3A_308 : memref<128x8xf32, #tpu.memory_space<vmem>>[vector<16xi32>, vector<16xi32>], vector<16xf32>,
      %add3A_311 = arith.constant 2 : i32
      %add3A_312 = vector.broadcast %add3A_311 : i32 to vector<16xi32>
      %add3A_313 = arith.addi %add3A_198, %add3A_312 : vector<16xi32>
      %gather3A_314 = tpu.vector_load_idx %arg8[%add3A_313] : memref<2176xf32, #tpu.memory_space<vmem>>[vector<16xi32>], vector<16xf32>,
      %broadcast_in_dim3A_315 = arith.constant 2 : i32
      %broadcast_in_dim3A_316 = vector.broadcast %broadcast_in_dim3A_315 : i32 to vector<16xi32>
      tpu.vector_store_idx %arg12[%add3A_172, %broadcast_in_dim3A_316], %gather3A_314 : memref<128x8xf32, #tpu.memory_space<vmem>>[vector<16xi32>, vector<16xi32>], vector<16xf32>,
      %add3A_317 = arith.constant 3 : i32
      %add3A_318 = vector.broadcast %add3A_317 : i32 to vector<16xi32>
      %add3A_319 = arith.addi %add3A_198, %add3A_318 : vector<16xi32>
      %gather3A_320 = tpu.vector_load_idx %arg8[%add3A_319] : memref<2176xf32, #tpu.memory_space<vmem>>[vector<16xi32>], vector<16xf32>,
      %broadcast_in_dim3A_321 = arith.constant 3 : i32
      %broadcast_in_dim3A_322 = vector.broadcast %broadcast_in_dim3A_321 : i32 to vector<16xi32>
      tpu.vector_store_idx %arg12[%add3A_172, %broadcast_in_dim3A_322], %gather3A_320 : memref<128x8xf32, #tpu.memory_space<vmem>>[vector<16xi32>, vector<16xi32>], vector<16xf32>,
      %add3A_323 = arith.constant 4 : i32
      %add3A_324 = vector.broadcast %add3A_323 : i32 to vector<16xi32>
      %add3A_325 = arith.addi %add3A_198, %add3A_324 : vector<16xi32>
      %gather3A_326 = tpu.vector_load_idx %arg8[%add3A_325] : memref<2176xf32, #tpu.memory_space<vmem>>[vector<16xi32>], vector<16xf32>,
      %broadcast_in_dim3A_327 = arith.constant 4 : i32
      %broadcast_in_dim3A_328 = vector.broadcast %broadcast_in_dim3A_327 : i32 to vector<16xi32>
      tpu.vector_store_idx %arg12[%add3A_172, %broadcast_in_dim3A_328], %gather3A_326 : memref<128x8xf32, #tpu.memory_space<vmem>>[vector<16xi32>, vector<16xi32>], vector<16xf32>,
      %add3A_329 = arith.constant 5 : i32
      %add3A_330 = vector.broadcast %add3A_329 : i32 to vector<16xi32>
      %add3A_331 = arith.addi %add3A_198, %add3A_330 : vector<16xi32>
      %gather3A_332 = tpu.vector_load_idx %arg8[%add3A_331] : memref<2176xf32, #tpu.memory_space<vmem>>[vector<16xi32>], vector<16xf32>,
      %broadcast_in_dim3A_333 = arith.constant 5 : i32
      %broadcast_in_dim3A_334 = vector.broadcast %broadcast_in_dim3A_333 : i32 to vector<16xi32>
      tpu.vector_store_idx %arg12[%add3A_172, %broadcast_in_dim3A_334], %gather3A_332 : memref<128x8xf32, #tpu.memory_space<vmem>>[vector<16xi32>, vector<16xi32>], vector<16xf32>,
      %add3A_335 = arith.constant 6 : i32
      %add3A_336 = vector.broadcast %add3A_335 : i32 to vector<16xi32>
      %add3A_337 = arith.addi %add3A_198, %add3A_336 : vector<16xi32>
      %gather3A_338 = tpu.vector_load_idx %arg8[%add3A_337] : memref<2176xf32, #tpu.memory_space<vmem>>[vector<16xi32>], vector<16xf32>,
      %broadcast_in_dim3A_339 = arith.constant 6 : i32
      %broadcast_in_dim3A_340 = vector.broadcast %broadcast_in_dim3A_339 : i32 to vector<16xi32>
      tpu.vector_store_idx %arg12[%add3A_172, %broadcast_in_dim3A_340], %gather3A_338 : memref<128x8xf32, #tpu.memory_space<vmem>>[vector<16xi32>, vector<16xi32>], vector<16xf32>,
      %add3A_341 = arith.constant 7 : i32
      %add3A_342 = vector.broadcast %add3A_341 : i32 to vector<16xi32>
      %add3A_343 = arith.addi %add3A_198, %add3A_342 : vector<16xi32>
      %gather3A_344 = tpu.vector_load_idx %arg8[%add3A_343] : memref<2176xf32, #tpu.memory_space<vmem>>[vector<16xi32>], vector<16xf32>,
      %broadcast_in_dim3A_345 = arith.constant 7 : i32
      %broadcast_in_dim3A_346 = vector.broadcast %broadcast_in_dim3A_345 : i32 to vector<16xi32>
      tpu.vector_store_idx %arg12[%add3A_172, %broadcast_in_dim3A_346], %gather3A_344 : memref<128x8xf32, #tpu.memory_space<vmem>>[vector<16xi32>, vector<16xi32>], vector<16xf32>,
      %add3A_347 = arith.constant 0 : i32
      %add3A_348 = vector.broadcast %add3A_347 : i32 to vector<16xi32>
      %add3A_349 = arith.addi %add3A_204, %add3A_348 : vector<16xi32>
      %gather3A_350 = tpu.vector_load_idx %arg8[%add3A_349] : memref<2176xf32, #tpu.memory_space<vmem>>[vector<16xi32>], vector<16xf32>,
      %broadcast_in_dim3A_351 = arith.constant 0 : i32
      %broadcast_in_dim3A_352 = vector.broadcast %broadcast_in_dim3A_351 : i32 to vector<16xi32>
      tpu.vector_store_idx %arg14[%add3A_172, %broadcast_in_dim3A_352], %gather3A_350 : memref<128x6xf32, #tpu.memory_space<vmem>>[vector<16xi32>, vector<16xi32>], vector<16xf32>,
      %add3A_353 = arith.constant 1 : i32
      %add3A_354 = vector.broadcast %add3A_353 : i32 to vector<16xi32>
      %add3A_355 = arith.addi %add3A_204, %add3A_354 : vector<16xi32>
      %gather3A_356 = tpu.vector_load_idx %arg8[%add3A_355] : memref<2176xf32, #tpu.memory_space<vmem>>[vector<16xi32>], vector<16xf32>,
      %broadcast_in_dim3A_357 = arith.constant 1 : i32
      %broadcast_in_dim3A_358 = vector.broadcast %broadcast_in_dim3A_357 : i32 to vector<16xi32>
      tpu.vector_store_idx %arg14[%add3A_172, %broadcast_in_dim3A_358], %gather3A_356 : memref<128x6xf32, #tpu.memory_space<vmem>>[vector<16xi32>, vector<16xi32>], vector<16xf32>,
      %add3A_359 = arith.constant 2 : i32
      %add3A_360 = vector.broadcast %add3A_359 : i32 to vector<16xi32>
      %add3A_361 = arith.addi %add3A_204, %add3A_360 : vector<16xi32>
      %gather3A_362 = tpu.vector_load_idx %arg8[%add3A_361] : memref<2176xf32, #tpu.memory_space<vmem>>[vector<16xi32>], vector<16xf32>,
      %broadcast_in_dim3A_363 = arith.constant 2 : i32
      %broadcast_in_dim3A_364 = vector.broadcast %broadcast_in_dim3A_363 : i32 to vector<16xi32>
      tpu.vector_store_idx %arg14[%add3A_172, %broadcast_in_dim3A_364], %gather3A_362 : memref<128x6xf32, #tpu.memory_space<vmem>>[vector<16xi32>, vector<16xi32>], vector<16xf32>,
      %add3A_365 = arith.constant 3 : i32
      %add3A_366 = vector.broadcast %add3A_365 : i32 to vector<16xi32>
      %add3A_367 = arith.addi %add3A_204, %add3A_366 : vector<16xi32>
      %gather3A_368 = tpu.vector_load_idx %arg8[%add3A_367] : memref<2176xf32, #tpu.memory_space<vmem>>[vector<16xi32>], vector<16xf32>,
      %broadcast_in_dim3A_369 = arith.constant 3 : i32
      %broadcast_in_dim3A_370 = vector.broadcast %broadcast_in_dim3A_369 : i32 to vector<16xi32>
      tpu.vector_store_idx %arg14[%add3A_172, %broadcast_in_dim3A_370], %gather3A_368 : memref<128x6xf32, #tpu.memory_space<vmem>>[vector<16xi32>, vector<16xi32>], vector<16xf32>,
      %add3A_371 = arith.constant 4 : i32
      %add3A_372 = vector.broadcast %add3A_371 : i32 to vector<16xi32>
      %add3A_373 = arith.addi %add3A_204, %add3A_372 : vector<16xi32>
      %gather3A_374 = tpu.vector_load_idx %arg8[%add3A_373] : memref<2176xf32, #tpu.memory_space<vmem>>[vector<16xi32>], vector<16xf32>,
      %broadcast_in_dim3A_375 = arith.constant 4 : i32
      %broadcast_in_dim3A_376 = vector.broadcast %broadcast_in_dim3A_375 : i32 to vector<16xi32>
      tpu.vector_store_idx %arg14[%add3A_172, %broadcast_in_dim3A_376], %gather3A_374 : memref<128x6xf32, #tpu.memory_space<vmem>>[vector<16xi32>, vector<16xi32>], vector<16xf32>,
      %add3A_377 = arith.constant 5 : i32
      %add3A_378 = vector.broadcast %add3A_377 : i32 to vector<16xi32>
      %add3A_379 = arith.addi %add3A_204, %add3A_378 : vector<16xi32>
      %gather3A_380 = tpu.vector_load_idx %arg8[%add3A_379] : memref<2176xf32, #tpu.memory_space<vmem>>[vector<16xi32>], vector<16xf32>,
      %broadcast_in_dim3A_381 = arith.constant 5 : i32
      %broadcast_in_dim3A_382 = vector.broadcast %broadcast_in_dim3A_381 : i32 to vector<16xi32>
      tpu.vector_store_idx %arg14[%add3A_172, %broadcast_in_dim3A_382], %gather3A_380 : memref<128x6xf32, #tpu.memory_space<vmem>>[vector<16xi32>, vector<16xi32>], vector<16xf32>,
    }
    %scan3A_65 = arith.constant 8 : i32
    %add3A_66 = arith.constant 128 : i32
    %add3A_67 = arith.addi %mul3A_2, %add3A_66 : i32
    %dma_start3A_68 = arith.constant 0 : i32
    %dma_start3A_69 = tpu.memref_slice %arg4[%add3A_67, %dma_start3A_68] : memref<16384x16xf32, #tpu.memory_space<hbm>> -> memref<128x16xf32, #tpu.memory_space<hbm>>
    %dma_start3A_70 = arith.constant 0 : i32
    %dma_start3A_71 = tpu.memref_slice %arg4[%add3A_67, %dma_start3A_70] : memref<16384x16xf32, #tpu.memory_space<hbm>> -> memref<128x16xf32, #tpu.memory_space<hbm>>
    tpu.enqueue_dma source(%arg10 : memref<128x16xf32, #tpu.memory_space<vmem>>) target(%dma_start3A_71 : memref<128x16xf32, #tpu.memory_space<hbm>>) target_semaphore(%arg17 : memref<!tpu.dma_semaphore, #tpu.memory_space<semaphore_mem>>)
    %dma_start3A_72 = arith.constant 0 : i32
    %dma_start3A_73 = tpu.memref_slice %arg5[%add3A_67, %dma_start3A_72] : memref<16384x8xf32, #tpu.memory_space<hbm>> -> memref<128x8xf32, #tpu.memory_space<hbm>>
    %dma_start3A_74 = arith.constant 0 : i32
    %dma_start3A_75 = tpu.memref_slice %arg5[%add3A_67, %dma_start3A_74] : memref<16384x8xf32, #tpu.memory_space<hbm>> -> memref<128x8xf32, #tpu.memory_space<hbm>>
    tpu.enqueue_dma source(%arg12 : memref<128x8xf32, #tpu.memory_space<vmem>>) target(%dma_start3A_75 : memref<128x8xf32, #tpu.memory_space<hbm>>) target_semaphore(%arg17 : memref<!tpu.dma_semaphore, #tpu.memory_space<semaphore_mem>>)
    %dma_start3A_76 = arith.constant 0 : i32
    %dma_start3A_77 = tpu.memref_slice %arg6[%add3A_67, %dma_start3A_76] : memref<16384x6xf32, #tpu.memory_space<hbm>> -> memref<128x6xf32, #tpu.memory_space<hbm>>
    %dma_start3A_78 = arith.constant 0 : i32
    %dma_start3A_79 = tpu.memref_slice %arg6[%add3A_67, %dma_start3A_78] : memref<16384x6xf32, #tpu.memory_space<hbm>> -> memref<128x6xf32, #tpu.memory_space<hbm>>
    tpu.enqueue_dma source(%arg14 : memref<128x6xf32, #tpu.memory_space<vmem>>) target(%dma_start3A_79 : memref<128x6xf32, #tpu.memory_space<hbm>>) target_semaphore(%arg17 : memref<!tpu.dma_semaphore, #tpu.memory_space<semaphore_mem>>)
    %dma_wait3A_80 = arith.constant 0 : i32
    %dma_wait3A_81 = tpu.memref_slice %arg4[%add3A_47, %dma_wait3A_80] : memref<16384x16xf32, #tpu.memory_space<hbm>> -> memref<128x16xf32, #tpu.memory_space<hbm>>
    %dma_wait3A_82 = arith.constant 0 : i32
    %dma_wait3A_83 = tpu.memref_slice %arg4[%add3A_47, %dma_wait3A_82] : memref<16384x16xf32, #tpu.memory_space<hbm>> -> memref<128x16xf32, #tpu.memory_space<hbm>>
    tpu.wait_dma2 semaphore(%arg16 : memref<!tpu.dma_semaphore, #tpu.memory_space<semaphore_mem>>) src(%arg9 : memref<128x16xf32, #tpu.memory_space<vmem>>) dst(%dma_wait3A_83 : memref<128x16xf32, #tpu.memory_space<hbm>>)
    %dma_wait3A_84 = arith.constant 0 : i32
    %dma_wait3A_85 = tpu.memref_slice %arg5[%add3A_47, %dma_wait3A_84] : memref<16384x8xf32, #tpu.memory_space<hbm>> -> memref<128x8xf32, #tpu.memory_space<hbm>>
    %dma_wait3A_86 = arith.constant 0 : i32
    %dma_wait3A_87 = tpu.memref_slice %arg5[%add3A_47, %dma_wait3A_86] : memref<16384x8xf32, #tpu.memory_space<hbm>> -> memref<128x8xf32, #tpu.memory_space<hbm>>
    tpu.wait_dma2 semaphore(%arg16 : memref<!tpu.dma_semaphore, #tpu.memory_space<semaphore_mem>>) src(%arg11 : memref<128x8xf32, #tpu.memory_space<vmem>>) dst(%dma_wait3A_87 : memref<128x8xf32, #tpu.memory_space<hbm>>)
    %dma_wait3A_88 = arith.constant 0 : i32
    %dma_wait3A_89 = tpu.memref_slice %arg6[%add3A_47, %dma_wait3A_88] : memref<16384x6xf32, #tpu.memory_space<hbm>> -> memref<128x6xf32, #tpu.memory_space<hbm>>
    %dma_wait3A_90 = arith.constant 0 : i32
    %dma_wait3A_91 = tpu.memref_slice %arg6[%add3A_47, %dma_wait3A_90] : memref<16384x6xf32, #tpu.memory_space<hbm>> -> memref<128x6xf32, #tpu.memory_space<hbm>>
    tpu.wait_dma2 semaphore(%arg16 : memref<!tpu.dma_semaphore, #tpu.memory_space<semaphore_mem>>) src(%arg13 : memref<128x6xf32, #tpu.memory_space<vmem>>) dst(%dma_wait3A_91 : memref<128x6xf32, #tpu.memory_space<hbm>>)
    %scan3A_92 = arith.constant 0 : i32
    %scan3A_93 = arith.constant 0 : i32
    %scan3A_94 = arith.constant 8 : i32
    %scan3A_95 = arith.addi %scan3A_93, %scan3A_94 : i32
    %scan3A_96 = arith.constant 1 : i32
    scf.for %scan3A_168 = %scan3A_93 to %scan3A_95 step %scan3A_96  : i32 {
      %mul3A_169 = arith.constant 16 : i32
      %mul3A_170 = arith.muli %scan3A_168, %mul3A_169 : i32
      %add3A_171 = vector.broadcast %mul3A_170 : i32 to vector<16xi32>
      %add3A_172 = arith.addi %add3A_171, %iota3A : vector<16xi32>
      %mul3A_173 = arith.constant 16 : i32
      %mul3A_174 = arith.muli %scan3A_168, %mul3A_173 : i32
      %add3A_175 = arith.constant 256 : i32
      %add3A_176 = arith.addi %add3A_175, %mul3A_174 : i32
      %get3A = arith.index_cast %add3A_176 : i32 to index
      %get3A_177 = tpu.vector_load %arg7[%get3A] {strides = array<i32>} : memref<1536xi32, #tpu.memory_space<vmem>>, vector<16xi32>,
      %mul3A_178 = arith.constant 16 : i32
      %mul3A_179 = arith.muli %scan3A_168, %mul3A_178 : i32
      %add3A_180 = arith.constant 768 : i32
      %add3A_181 = arith.addi %add3A_180, %mul3A_179 : i32
      %get3A_182 = arith.index_cast %add3A_181 : i32 to index
      %get3A_183 = tpu.vector_load %arg7[%get3A_182] {strides = array<i32>} : memref<1536xi32, #tpu.memory_space<vmem>>, vector<16xi32>,
      %mul3A_184 = arith.constant 16 : i32
      %mul3A_185 = arith.muli %scan3A_168, %mul3A_184 : i32
      %add3A_186 = arith.constant 1280 : i32
      %add3A_187 = arith.addi %add3A_186, %mul3A_185 : i32
      %get3A_188 = arith.index_cast %add3A_187 : i32 to index
      %get3A_189 = tpu.vector_load %arg7[%get3A_188] {strides = array<i32>} : memref<1536xi32, #tpu.memory_space<vmem>>, vector<16xi32>,
      %mul3A_190 = arith.constant 16 : i32
      %mul3A_191 = vector.broadcast %mul3A_190 : i32 to vector<16xi32>
      %mul3A_192 = arith.muli %get3A_177, %mul3A_191 : vector<16xi32>
      %mul3A_193 = arith.constant 8 : i32
      %mul3A_194 = vector.broadcast %mul3A_193 : i32 to vector<16xi32>
      %mul3A_195 = arith.muli %get3A_183, %mul3A_194 : vector<16xi32>
      %add3A_196 = arith.constant 1664 : i32
      %add3A_197 = vector.broadcast %add3A_196 : i32 to vector<16xi32>
      %add3A_198 = arith.addi %mul3A_195, %add3A_197 : vector<16xi32>
      %mul3A_199 = arith.constant 6 : i32
      %mul3A_200 = vector.broadcast %mul3A_199 : i32 to vector<16xi32>
      %mul3A_201 = arith.muli %get3A_189, %mul3A_200 : vector<16xi32>
      %add3A_202 = arith.constant 1792 : i32
      %add3A_203 = vector.broadcast %add3A_202 : i32 to vector<16xi32>
      %add3A_204 = arith.addi %mul3A_201, %add3A_203 : vector<16xi32>
      %add3A_205 = arith.constant 0 : i32
      %add3A_206 = vector.broadcast %add3A_205 : i32 to vector<16xi32>
      %add3A_207 = arith.addi %mul3A_192, %add3A_206 : vector<16xi32>
      %gather3A = tpu.vector_load_idx %arg8[%add3A_207] : memref<2176xf32, #tpu.memory_space<vmem>>[vector<16xi32>], vector<16xf32>,
      %broadcast_in_dim3A = arith.constant 0 : i32
      %broadcast_in_dim3A_208 = vector.broadcast %broadcast_in_dim3A : i32 to vector<16xi32>
      tpu.vector_store_idx %arg9[%add3A_172, %broadcast_in_dim3A_208], %gather3A : memref<128x16xf32, #tpu.memory_space<vmem>>[vector<16xi32>, vector<16xi32>], vector<16xf32>,
      %add3A_209 = arith.constant 1 : i32
      %add3A_210 = vector.broadcast %add3A_209 : i32 to vector<16xi32>
      %add3A_211 = arith.addi %mul3A_192, %add3A_210 : vector<16xi32>
      %gather3A_212 = tpu.vector_load_idx %arg8[%add3A_211] : memref<2176xf32, #tpu.memory_space<vmem>>[vector<16xi32>], vector<16xf32>,
      %broadcast_in_dim3A_213 = arith.constant 1 : i32
      %broadcast_in_dim3A_214 = vector.broadcast %broadcast_in_dim3A_213 : i32 to vector<16xi32>
      tpu.vector_store_idx %arg9[%add3A_172, %broadcast_in_dim3A_214], %gather3A_212 : memref<128x16xf32, #tpu.memory_space<vmem>>[vector<16xi32>, vector<16xi32>], vector<16xf32>,
      %add3A_215 = arith.constant 2 : i32
      %add3A_216 = vector.broadcast %add3A_215 : i32 to vector<16xi32>
      %add3A_217 = arith.addi %mul3A_192, %add3A_216 : vector<16xi32>
      %gather3A_218 = tpu.vector_load_idx %arg8[%add3A_217] : memref<2176xf32, #tpu.memory_space<vmem>>[vector<16xi32>], vector<16xf32>,
      %broadcast_in_dim3A_219 = arith.constant 2 : i32
      %broadcast_in_dim3A_220 = vector.broadcast %broadcast_in_dim3A_219 : i32 to vector<16xi32>
      tpu.vector_store_idx %arg9[%add3A_172, %broadcast_in_dim3A_220], %gather3A_218 : memref<128x16xf32, #tpu.memory_space<vmem>>[vector<16xi32>, vector<16xi32>], vector<16xf32>,
      %add3A_221 = arith.constant 3 : i32
      %add3A_222 = vector.broadcast %add3A_221 : i32 to vector<16xi32>
      %add3A_223 = arith.addi %mul3A_192, %add3A_222 : vector<16xi32>
      %gather3A_224 = tpu.vector_load_idx %arg8[%add3A_223] : memref<2176xf32, #tpu.memory_space<vmem>>[vector<16xi32>], vector<16xf32>,
      %broadcast_in_dim3A_225 = arith.constant 3 : i32
      %broadcast_in_dim3A_226 = vector.broadcast %broadcast_in_dim3A_225 : i32 to vector<16xi32>
      tpu.vector_store_idx %arg9[%add3A_172, %broadcast_in_dim3A_226], %gather3A_224 : memref<128x16xf32, #tpu.memory_space<vmem>>[vector<16xi32>, vector<16xi32>], vector<16xf32>,
      %add3A_227 = arith.constant 4 : i32
      %add3A_228 = vector.broadcast %add3A_227 : i32 to vector<16xi32>
      %add3A_229 = arith.addi %mul3A_192, %add3A_228 : vector<16xi32>
      %gather3A_230 = tpu.vector_load_idx %arg8[%add3A_229] : memref<2176xf32, #tpu.memory_space<vmem>>[vector<16xi32>], vector<16xf32>,
      %broadcast_in_dim3A_231 = arith.constant 4 : i32
      %broadcast_in_dim3A_232 = vector.broadcast %broadcast_in_dim3A_231 : i32 to vector<16xi32>
      tpu.vector_store_idx %arg9[%add3A_172, %broadcast_in_dim3A_232], %gather3A_230 : memref<128x16xf32, #tpu.memory_space<vmem>>[vector<16xi32>, vector<16xi32>], vector<16xf32>,
      %add3A_233 = arith.constant 5 : i32
      %add3A_234 = vector.broadcast %add3A_233 : i32 to vector<16xi32>
      %add3A_235 = arith.addi %mul3A_192, %add3A_234 : vector<16xi32>
      %gather3A_236 = tpu.vector_load_idx %arg8[%add3A_235] : memref<2176xf32, #tpu.memory_space<vmem>>[vector<16xi32>], vector<16xf32>,
      %broadcast_in_dim3A_237 = arith.constant 5 : i32
      %broadcast_in_dim3A_238 = vector.broadcast %broadcast_in_dim3A_237 : i32 to vector<16xi32>
      tpu.vector_store_idx %arg9[%add3A_172, %broadcast_in_dim3A_238], %gather3A_236 : memref<128x16xf32, #tpu.memory_space<vmem>>[vector<16xi32>, vector<16xi32>], vector<16xf32>,
      %add3A_239 = arith.constant 6 : i32
      %add3A_240 = vector.broadcast %add3A_239 : i32 to vector<16xi32>
      %add3A_241 = arith.addi %mul3A_192, %add3A_240 : vector<16xi32>
      %gather3A_242 = tpu.vector_load_idx %arg8[%add3A_241] : memref<2176xf32, #tpu.memory_space<vmem>>[vector<16xi32>], vector<16xf32>,
      %broadcast_in_dim3A_243 = arith.constant 6 : i32
      %broadcast_in_dim3A_244 = vector.broadcast %broadcast_in_dim3A_243 : i32 to vector<16xi32>
      tpu.vector_store_idx %arg9[%add3A_172, %broadcast_in_dim3A_244], %gather3A_242 : memref<128x16xf32, #tpu.memory_space<vmem>>[vector<16xi32>, vector<16xi32>], vector<16xf32>,
      %add3A_245 = arith.constant 7 : i32
      %add3A_246 = vector.broadcast %add3A_245 : i32 to vector<16xi32>
      %add3A_247 = arith.addi %mul3A_192, %add3A_246 : vector<16xi32>
      %gather3A_248 = tpu.vector_load_idx %arg8[%add3A_247] : memref<2176xf32, #tpu.memory_space<vmem>>[vector<16xi32>], vector<16xf32>,
      %broadcast_in_dim3A_249 = arith.constant 7 : i32
      %broadcast_in_dim3A_250 = vector.broadcast %broadcast_in_dim3A_249 : i32 to vector<16xi32>
      tpu.vector_store_idx %arg9[%add3A_172, %broadcast_in_dim3A_250], %gather3A_248 : memref<128x16xf32, #tpu.memory_space<vmem>>[vector<16xi32>, vector<16xi32>], vector<16xf32>,
      %add3A_251 = arith.constant 8 : i32
      %add3A_252 = vector.broadcast %add3A_251 : i32 to vector<16xi32>
      %add3A_253 = arith.addi %mul3A_192, %add3A_252 : vector<16xi32>
      %gather3A_254 = tpu.vector_load_idx %arg8[%add3A_253] : memref<2176xf32, #tpu.memory_space<vmem>>[vector<16xi32>], vector<16xf32>,
      %broadcast_in_dim3A_255 = arith.constant 8 : i32
      %broadcast_in_dim3A_256 = vector.broadcast %broadcast_in_dim3A_255 : i32 to vector<16xi32>
      tpu.vector_store_idx %arg9[%add3A_172, %broadcast_in_dim3A_256], %gather3A_254 : memref<128x16xf32, #tpu.memory_space<vmem>>[vector<16xi32>, vector<16xi32>], vector<16xf32>,
      %add3A_257 = arith.constant 9 : i32
      %add3A_258 = vector.broadcast %add3A_257 : i32 to vector<16xi32>
      %add3A_259 = arith.addi %mul3A_192, %add3A_258 : vector<16xi32>
      %gather3A_260 = tpu.vector_load_idx %arg8[%add3A_259] : memref<2176xf32, #tpu.memory_space<vmem>>[vector<16xi32>], vector<16xf32>,
      %broadcast_in_dim3A_261 = arith.constant 9 : i32
      %broadcast_in_dim3A_262 = vector.broadcast %broadcast_in_dim3A_261 : i32 to vector<16xi32>
      tpu.vector_store_idx %arg9[%add3A_172, %broadcast_in_dim3A_262], %gather3A_260 : memref<128x16xf32, #tpu.memory_space<vmem>>[vector<16xi32>, vector<16xi32>], vector<16xf32>,
      %add3A_263 = arith.constant 10 : i32
      %add3A_264 = vector.broadcast %add3A_263 : i32 to vector<16xi32>
      %add3A_265 = arith.addi %mul3A_192, %add3A_264 : vector<16xi32>
      %gather3A_266 = tpu.vector_load_idx %arg8[%add3A_265] : memref<2176xf32, #tpu.memory_space<vmem>>[vector<16xi32>], vector<16xf32>,
      %broadcast_in_dim3A_267 = arith.constant 10 : i32
      %broadcast_in_dim3A_268 = vector.broadcast %broadcast_in_dim3A_267 : i32 to vector<16xi32>
      tpu.vector_store_idx %arg9[%add3A_172, %broadcast_in_dim3A_268], %gather3A_266 : memref<128x16xf32, #tpu.memory_space<vmem>>[vector<16xi32>, vector<16xi32>], vector<16xf32>,
      %add3A_269 = arith.constant 11 : i32
      %add3A_270 = vector.broadcast %add3A_269 : i32 to vector<16xi32>
      %add3A_271 = arith.addi %mul3A_192, %add3A_270 : vector<16xi32>
      %gather3A_272 = tpu.vector_load_idx %arg8[%add3A_271] : memref<2176xf32, #tpu.memory_space<vmem>>[vector<16xi32>], vector<16xf32>,
      %broadcast_in_dim3A_273 = arith.constant 11 : i32
      %broadcast_in_dim3A_274 = vector.broadcast %broadcast_in_dim3A_273 : i32 to vector<16xi32>
      tpu.vector_store_idx %arg9[%add3A_172, %broadcast_in_dim3A_274], %gather3A_272 : memref<128x16xf32, #tpu.memory_space<vmem>>[vector<16xi32>, vector<16xi32>], vector<16xf32>,
      %add3A_275 = arith.constant 12 : i32
      %add3A_276 = vector.broadcast %add3A_275 : i32 to vector<16xi32>
      %add3A_277 = arith.addi %mul3A_192, %add3A_276 : vector<16xi32>
      %gather3A_278 = tpu.vector_load_idx %arg8[%add3A_277] : memref<2176xf32, #tpu.memory_space<vmem>>[vector<16xi32>], vector<16xf32>,
      %broadcast_in_dim3A_279 = arith.constant 12 : i32
      %broadcast_in_dim3A_280 = vector.broadcast %broadcast_in_dim3A_279 : i32 to vector<16xi32>
      tpu.vector_store_idx %arg9[%add3A_172, %broadcast_in_dim3A_280], %gather3A_278 : memref<128x16xf32, #tpu.memory_space<vmem>>[vector<16xi32>, vector<16xi32>], vector<16xf32>,
      %add3A_281 = arith.constant 13 : i32
      %add3A_282 = vector.broadcast %add3A_281 : i32 to vector<16xi32>
      %add3A_283 = arith.addi %mul3A_192, %add3A_282 : vector<16xi32>
      %gather3A_284 = tpu.vector_load_idx %arg8[%add3A_283] : memref<2176xf32, #tpu.memory_space<vmem>>[vector<16xi32>], vector<16xf32>,
      %broadcast_in_dim3A_285 = arith.constant 13 : i32
      %broadcast_in_dim3A_286 = vector.broadcast %broadcast_in_dim3A_285 : i32 to vector<16xi32>
      tpu.vector_store_idx %arg9[%add3A_172, %broadcast_in_dim3A_286], %gather3A_284 : memref<128x16xf32, #tpu.memory_space<vmem>>[vector<16xi32>, vector<16xi32>], vector<16xf32>,
      %add3A_287 = arith.constant 14 : i32
      %add3A_288 = vector.broadcast %add3A_287 : i32 to vector<16xi32>
      %add3A_289 = arith.addi %mul3A_192, %add3A_288 : vector<16xi32>
      %gather3A_290 = tpu.vector_load_idx %arg8[%add3A_289] : memref<2176xf32, #tpu.memory_space<vmem>>[vector<16xi32>], vector<16xf32>,
      %broadcast_in_dim3A_291 = arith.constant 14 : i32
      %broadcast_in_dim3A_292 = vector.broadcast %broadcast_in_dim3A_291 : i32 to vector<16xi32>
      tpu.vector_store_idx %arg9[%add3A_172, %broadcast_in_dim3A_292], %gather3A_290 : memref<128x16xf32, #tpu.memory_space<vmem>>[vector<16xi32>, vector<16xi32>], vector<16xf32>,
      %add3A_293 = arith.constant 15 : i32
      %add3A_294 = vector.broadcast %add3A_293 : i32 to vector<16xi32>
      %add3A_295 = arith.addi %mul3A_192, %add3A_294 : vector<16xi32>
      %gather3A_296 = tpu.vector_load_idx %arg8[%add3A_295] : memref<2176xf32, #tpu.memory_space<vmem>>[vector<16xi32>], vector<16xf32>,
      %broadcast_in_dim3A_297 = arith.constant 15 : i32
      %broadcast_in_dim3A_298 = vector.broadcast %broadcast_in_dim3A_297 : i32 to vector<16xi32>
      tpu.vector_store_idx %arg9[%add3A_172, %broadcast_in_dim3A_298], %gather3A_296 : memref<128x16xf32, #tpu.memory_space<vmem>>[vector<16xi32>, vector<16xi32>], vector<16xf32>,
      %add3A_299 = arith.constant 0 : i32
      %add3A_300 = vector.broadcast %add3A_299 : i32 to vector<16xi32>
      %add3A_301 = arith.addi %add3A_198, %add3A_300 : vector<16xi32>
      %gather3A_302 = tpu.vector_load_idx %arg8[%add3A_301] : memref<2176xf32, #tpu.memory_space<vmem>>[vector<16xi32>], vector<16xf32>,
      %broadcast_in_dim3A_303 = arith.constant 0 : i32
      %broadcast_in_dim3A_304 = vector.broadcast %broadcast_in_dim3A_303 : i32 to vector<16xi32>
      tpu.vector_store_idx %arg11[%add3A_172, %broadcast_in_dim3A_304], %gather3A_302 : memref<128x8xf32, #tpu.memory_space<vmem>>[vector<16xi32>, vector<16xi32>], vector<16xf32>,
      %add3A_305 = arith.constant 1 : i32
      %add3A_306 = vector.broadcast %add3A_305 : i32 to vector<16xi32>
      %add3A_307 = arith.addi %add3A_198, %add3A_306 : vector<16xi32>
      %gather3A_308 = tpu.vector_load_idx %arg8[%add3A_307] : memref<2176xf32, #tpu.memory_space<vmem>>[vector<16xi32>], vector<16xf32>,
      %broadcast_in_dim3A_309 = arith.constant 1 : i32
      %broadcast_in_dim3A_310 = vector.broadcast %broadcast_in_dim3A_309 : i32 to vector<16xi32>
      tpu.vector_store_idx %arg11[%add3A_172, %broadcast_in_dim3A_310], %gather3A_308 : memref<128x8xf32, #tpu.memory_space<vmem>>[vector<16xi32>, vector<16xi32>], vector<16xf32>,
      %add3A_311 = arith.constant 2 : i32
      %add3A_312 = vector.broadcast %add3A_311 : i32 to vector<16xi32>
      %add3A_313 = arith.addi %add3A_198, %add3A_312 : vector<16xi32>
      %gather3A_314 = tpu.vector_load_idx %arg8[%add3A_313] : memref<2176xf32, #tpu.memory_space<vmem>>[vector<16xi32>], vector<16xf32>,
      %broadcast_in_dim3A_315 = arith.constant 2 : i32
      %broadcast_in_dim3A_316 = vector.broadcast %broadcast_in_dim3A_315 : i32 to vector<16xi32>
      tpu.vector_store_idx %arg11[%add3A_172, %broadcast_in_dim3A_316], %gather3A_314 : memref<128x8xf32, #tpu.memory_space<vmem>>[vector<16xi32>, vector<16xi32>], vector<16xf32>,
      %add3A_317 = arith.constant 3 : i32
      %add3A_318 = vector.broadcast %add3A_317 : i32 to vector<16xi32>
      %add3A_319 = arith.addi %add3A_198, %add3A_318 : vector<16xi32>
      %gather3A_320 = tpu.vector_load_idx %arg8[%add3A_319] : memref<2176xf32, #tpu.memory_space<vmem>>[vector<16xi32>], vector<16xf32>,
      %broadcast_in_dim3A_321 = arith.constant 3 : i32
      %broadcast_in_dim3A_322 = vector.broadcast %broadcast_in_dim3A_321 : i32 to vector<16xi32>
      tpu.vector_store_idx %arg11[%add3A_172, %broadcast_in_dim3A_322], %gather3A_320 : memref<128x8xf32, #tpu.memory_space<vmem>>[vector<16xi32>, vector<16xi32>], vector<16xf32>,
      %add3A_323 = arith.constant 4 : i32
      %add3A_324 = vector.broadcast %add3A_323 : i32 to vector<16xi32>
      %add3A_325 = arith.addi %add3A_198, %add3A_324 : vector<16xi32>
      %gather3A_326 = tpu.vector_load_idx %arg8[%add3A_325] : memref<2176xf32, #tpu.memory_space<vmem>>[vector<16xi32>], vector<16xf32>,
      %broadcast_in_dim3A_327 = arith.constant 4 : i32
      %broadcast_in_dim3A_328 = vector.broadcast %broadcast_in_dim3A_327 : i32 to vector<16xi32>
      tpu.vector_store_idx %arg11[%add3A_172, %broadcast_in_dim3A_328], %gather3A_326 : memref<128x8xf32, #tpu.memory_space<vmem>>[vector<16xi32>, vector<16xi32>], vector<16xf32>,
      %add3A_329 = arith.constant 5 : i32
      %add3A_330 = vector.broadcast %add3A_329 : i32 to vector<16xi32>
      %add3A_331 = arith.addi %add3A_198, %add3A_330 : vector<16xi32>
      %gather3A_332 = tpu.vector_load_idx %arg8[%add3A_331] : memref<2176xf32, #tpu.memory_space<vmem>>[vector<16xi32>], vector<16xf32>,
      %broadcast_in_dim3A_333 = arith.constant 5 : i32
      %broadcast_in_dim3A_334 = vector.broadcast %broadcast_in_dim3A_333 : i32 to vector<16xi32>
      tpu.vector_store_idx %arg11[%add3A_172, %broadcast_in_dim3A_334], %gather3A_332 : memref<128x8xf32, #tpu.memory_space<vmem>>[vector<16xi32>, vector<16xi32>], vector<16xf32>,
      %add3A_335 = arith.constant 6 : i32
      %add3A_336 = vector.broadcast %add3A_335 : i32 to vector<16xi32>
      %add3A_337 = arith.addi %add3A_198, %add3A_336 : vector<16xi32>
      %gather3A_338 = tpu.vector_load_idx %arg8[%add3A_337] : memref<2176xf32, #tpu.memory_space<vmem>>[vector<16xi32>], vector<16xf32>,
      %broadcast_in_dim3A_339 = arith.constant 6 : i32
      %broadcast_in_dim3A_340 = vector.broadcast %broadcast_in_dim3A_339 : i32 to vector<16xi32>
      tpu.vector_store_idx %arg11[%add3A_172, %broadcast_in_dim3A_340], %gather3A_338 : memref<128x8xf32, #tpu.memory_space<vmem>>[vector<16xi32>, vector<16xi32>], vector<16xf32>,
      %add3A_341 = arith.constant 7 : i32
      %add3A_342 = vector.broadcast %add3A_341 : i32 to vector<16xi32>
      %add3A_343 = arith.addi %add3A_198, %add3A_342 : vector<16xi32>
      %gather3A_344 = tpu.vector_load_idx %arg8[%add3A_343] : memref<2176xf32, #tpu.memory_space<vmem>>[vector<16xi32>], vector<16xf32>,
      %broadcast_in_dim3A_345 = arith.constant 7 : i32
      %broadcast_in_dim3A_346 = vector.broadcast %broadcast_in_dim3A_345 : i32 to vector<16xi32>
      tpu.vector_store_idx %arg11[%add3A_172, %broadcast_in_dim3A_346], %gather3A_344 : memref<128x8xf32, #tpu.memory_space<vmem>>[vector<16xi32>, vector<16xi32>], vector<16xf32>,
      %add3A_347 = arith.constant 0 : i32
      %add3A_348 = vector.broadcast %add3A_347 : i32 to vector<16xi32>
      %add3A_349 = arith.addi %add3A_204, %add3A_348 : vector<16xi32>
      %gather3A_350 = tpu.vector_load_idx %arg8[%add3A_349] : memref<2176xf32, #tpu.memory_space<vmem>>[vector<16xi32>], vector<16xf32>,
      %broadcast_in_dim3A_351 = arith.constant 0 : i32
      %broadcast_in_dim3A_352 = vector.broadcast %broadcast_in_dim3A_351 : i32 to vector<16xi32>
      tpu.vector_store_idx %arg13[%add3A_172, %broadcast_in_dim3A_352], %gather3A_350 : memref<128x6xf32, #tpu.memory_space<vmem>>[vector<16xi32>, vector<16xi32>], vector<16xf32>,
      %add3A_353 = arith.constant 1 : i32
      %add3A_354 = vector.broadcast %add3A_353 : i32 to vector<16xi32>
      %add3A_355 = arith.addi %add3A_204, %add3A_354 : vector<16xi32>
      %gather3A_356 = tpu.vector_load_idx %arg8[%add3A_355] : memref<2176xf32, #tpu.memory_space<vmem>>[vector<16xi32>], vector<16xf32>,
      %broadcast_in_dim3A_357 = arith.constant 1 : i32
      %broadcast_in_dim3A_358 = vector.broadcast %broadcast_in_dim3A_357 : i32 to vector<16xi32>
      tpu.vector_store_idx %arg13[%add3A_172, %broadcast_in_dim3A_358], %gather3A_356 : memref<128x6xf32, #tpu.memory_space<vmem>>[vector<16xi32>, vector<16xi32>], vector<16xf32>,
      %add3A_359 = arith.constant 2 : i32
      %add3A_360 = vector.broadcast %add3A_359 : i32 to vector<16xi32>
      %add3A_361 = arith.addi %add3A_204, %add3A_360 : vector<16xi32>
      %gather3A_362 = tpu.vector_load_idx %arg8[%add3A_361] : memref<2176xf32, #tpu.memory_space<vmem>>[vector<16xi32>], vector<16xf32>,
      %broadcast_in_dim3A_363 = arith.constant 2 : i32
      %broadcast_in_dim3A_364 = vector.broadcast %broadcast_in_dim3A_363 : i32 to vector<16xi32>
      tpu.vector_store_idx %arg13[%add3A_172, %broadcast_in_dim3A_364], %gather3A_362 : memref<128x6xf32, #tpu.memory_space<vmem>>[vector<16xi32>, vector<16xi32>], vector<16xf32>,
      %add3A_365 = arith.constant 3 : i32
      %add3A_366 = vector.broadcast %add3A_365 : i32 to vector<16xi32>
      %add3A_367 = arith.addi %add3A_204, %add3A_366 : vector<16xi32>
      %gather3A_368 = tpu.vector_load_idx %arg8[%add3A_367] : memref<2176xf32, #tpu.memory_space<vmem>>[vector<16xi32>], vector<16xf32>,
      %broadcast_in_dim3A_369 = arith.constant 3 : i32
      %broadcast_in_dim3A_370 = vector.broadcast %broadcast_in_dim3A_369 : i32 to vector<16xi32>
      tpu.vector_store_idx %arg13[%add3A_172, %broadcast_in_dim3A_370], %gather3A_368 : memref<128x6xf32, #tpu.memory_space<vmem>>[vector<16xi32>, vector<16xi32>], vector<16xf32>,
      %add3A_371 = arith.constant 4 : i32
      %add3A_372 = vector.broadcast %add3A_371 : i32 to vector<16xi32>
      %add3A_373 = arith.addi %add3A_204, %add3A_372 : vector<16xi32>
      %gather3A_374 = tpu.vector_load_idx %arg8[%add3A_373] : memref<2176xf32, #tpu.memory_space<vmem>>[vector<16xi32>], vector<16xf32>,
      %broadcast_in_dim3A_375 = arith.constant 4 : i32
      %broadcast_in_dim3A_376 = vector.broadcast %broadcast_in_dim3A_375 : i32 to vector<16xi32>
      tpu.vector_store_idx %arg13[%add3A_172, %broadcast_in_dim3A_376], %gather3A_374 : memref<128x6xf32, #tpu.memory_space<vmem>>[vector<16xi32>, vector<16xi32>], vector<16xf32>,
      %add3A_377 = arith.constant 5 : i32
      %add3A_378 = vector.broadcast %add3A_377 : i32 to vector<16xi32>
      %add3A_379 = arith.addi %add3A_204, %add3A_378 : vector<16xi32>
      %gather3A_380 = tpu.vector_load_idx %arg8[%add3A_379] : memref<2176xf32, #tpu.memory_space<vmem>>[vector<16xi32>], vector<16xf32>,
      %broadcast_in_dim3A_381 = arith.constant 5 : i32
      %broadcast_in_dim3A_382 = vector.broadcast %broadcast_in_dim3A_381 : i32 to vector<16xi32>
      tpu.vector_store_idx %arg13[%add3A_172, %broadcast_in_dim3A_382], %gather3A_380 : memref<128x6xf32, #tpu.memory_space<vmem>>[vector<16xi32>, vector<16xi32>], vector<16xf32>,
    }
    %scan3A_97 = arith.constant 8 : i32
    %add3A_98 = arith.constant 256 : i32
    %add3A_99 = arith.addi %mul3A_2, %add3A_98 : i32
    %dma_start3A_100 = arith.constant 0 : i32
    %dma_start3A_101 = tpu.memref_slice %arg4[%add3A_99, %dma_start3A_100] : memref<16384x16xf32, #tpu.memory_space<hbm>> -> memref<128x16xf32, #tpu.memory_space<hbm>>
    %dma_start3A_102 = arith.constant 0 : i32
    %dma_start3A_103 = tpu.memref_slice %arg4[%add3A_99, %dma_start3A_102] : memref<16384x16xf32, #tpu.memory_space<hbm>> -> memref<128x16xf32, #tpu.memory_space<hbm>>
    tpu.enqueue_dma source(%arg9 : memref<128x16xf32, #tpu.memory_space<vmem>>) target(%dma_start3A_103 : memref<128x16xf32, #tpu.memory_space<hbm>>) target_semaphore(%arg16 : memref<!tpu.dma_semaphore, #tpu.memory_space<semaphore_mem>>)
    %dma_start3A_104 = arith.constant 0 : i32
    %dma_start3A_105 = tpu.memref_slice %arg5[%add3A_99, %dma_start3A_104] : memref<16384x8xf32, #tpu.memory_space<hbm>> -> memref<128x8xf32, #tpu.memory_space<hbm>>
    %dma_start3A_106 = arith.constant 0 : i32
    %dma_start3A_107 = tpu.memref_slice %arg5[%add3A_99, %dma_start3A_106] : memref<16384x8xf32, #tpu.memory_space<hbm>> -> memref<128x8xf32, #tpu.memory_space<hbm>>
    tpu.enqueue_dma source(%arg11 : memref<128x8xf32, #tpu.memory_space<vmem>>) target(%dma_start3A_107 : memref<128x8xf32, #tpu.memory_space<hbm>>) target_semaphore(%arg16 : memref<!tpu.dma_semaphore, #tpu.memory_space<semaphore_mem>>)
    %dma_start3A_108 = arith.constant 0 : i32
    %dma_start3A_109 = tpu.memref_slice %arg6[%add3A_99, %dma_start3A_108] : memref<16384x6xf32, #tpu.memory_space<hbm>> -> memref<128x6xf32, #tpu.memory_space<hbm>>
    %dma_start3A_110 = arith.constant 0 : i32
    %dma_start3A_111 = tpu.memref_slice %arg6[%add3A_99, %dma_start3A_110] : memref<16384x6xf32, #tpu.memory_space<hbm>> -> memref<128x6xf32, #tpu.memory_space<hbm>>
    tpu.enqueue_dma source(%arg13 : memref<128x6xf32, #tpu.memory_space<vmem>>) target(%dma_start3A_111 : memref<128x6xf32, #tpu.memory_space<hbm>>) target_semaphore(%arg16 : memref<!tpu.dma_semaphore, #tpu.memory_space<semaphore_mem>>)
    %dma_wait3A_112 = arith.constant 0 : i32
    %dma_wait3A_113 = tpu.memref_slice %arg4[%add3A_67, %dma_wait3A_112] : memref<16384x16xf32, #tpu.memory_space<hbm>> -> memref<128x16xf32, #tpu.memory_space<hbm>>
    %dma_wait3A_114 = arith.constant 0 : i32
    %dma_wait3A_115 = tpu.memref_slice %arg4[%add3A_67, %dma_wait3A_114] : memref<16384x16xf32, #tpu.memory_space<hbm>> -> memref<128x16xf32, #tpu.memory_space<hbm>>
    tpu.wait_dma2 semaphore(%arg17 : memref<!tpu.dma_semaphore, #tpu.memory_space<semaphore_mem>>) src(%arg10 : memref<128x16xf32, #tpu.memory_space<vmem>>) dst(%dma_wait3A_115 : memref<128x16xf32, #tpu.memory_space<hbm>>)
    %dma_wait3A_116 = arith.constant 0 : i32
    %dma_wait3A_117 = tpu.memref_slice %arg5[%add3A_67, %dma_wait3A_116] : memref<16384x8xf32, #tpu.memory_space<hbm>> -> memref<128x8xf32, #tpu.memory_space<hbm>>
    %dma_wait3A_118 = arith.constant 0 : i32
    %dma_wait3A_119 = tpu.memref_slice %arg5[%add3A_67, %dma_wait3A_118] : memref<16384x8xf32, #tpu.memory_space<hbm>> -> memref<128x8xf32, #tpu.memory_space<hbm>>
    tpu.wait_dma2 semaphore(%arg17 : memref<!tpu.dma_semaphore, #tpu.memory_space<semaphore_mem>>) src(%arg12 : memref<128x8xf32, #tpu.memory_space<vmem>>) dst(%dma_wait3A_119 : memref<128x8xf32, #tpu.memory_space<hbm>>)
    %dma_wait3A_120 = arith.constant 0 : i32
    %dma_wait3A_121 = tpu.memref_slice %arg6[%add3A_67, %dma_wait3A_120] : memref<16384x6xf32, #tpu.memory_space<hbm>> -> memref<128x6xf32, #tpu.memory_space<hbm>>
    %dma_wait3A_122 = arith.constant 0 : i32
    %dma_wait3A_123 = tpu.memref_slice %arg6[%add3A_67, %dma_wait3A_122] : memref<16384x6xf32, #tpu.memory_space<hbm>> -> memref<128x6xf32, #tpu.memory_space<hbm>>
    tpu.wait_dma2 semaphore(%arg17 : memref<!tpu.dma_semaphore, #tpu.memory_space<semaphore_mem>>) src(%arg14 : memref<128x6xf32, #tpu.memory_space<vmem>>) dst(%dma_wait3A_123 : memref<128x6xf32, #tpu.memory_space<hbm>>)
    %scan3A_124 = arith.constant 0 : i32
    %scan3A_125 = arith.constant 0 : i32
    %scan3A_126 = arith.constant 8 : i32
    %scan3A_127 = arith.addi %scan3A_125, %scan3A_126 : i32
    %scan3A_128 = arith.constant 1 : i32
    scf.for %scan3A_168 = %scan3A_125 to %scan3A_127 step %scan3A_128  : i32 {
      %mul3A_169 = arith.constant 16 : i32
      %mul3A_170 = arith.muli %scan3A_168, %mul3A_169 : i32
      %add3A_171 = vector.broadcast %mul3A_170 : i32 to vector<16xi32>
      %add3A_172 = arith.addi %add3A_171, %iota3A : vector<16xi32>
      %mul3A_173 = arith.constant 16 : i32
      %mul3A_174 = arith.muli %scan3A_168, %mul3A_173 : i32
      %add3A_175 = arith.constant 384 : i32
      %add3A_176 = arith.addi %add3A_175, %mul3A_174 : i32
      %get3A = arith.index_cast %add3A_176 : i32 to index
      %get3A_177 = tpu.vector_load %arg7[%get3A] {strides = array<i32>} : memref<1536xi32, #tpu.memory_space<vmem>>, vector<16xi32>,
      %mul3A_178 = arith.constant 16 : i32
      %mul3A_179 = arith.muli %scan3A_168, %mul3A_178 : i32
      %add3A_180 = arith.constant 896 : i32
      %add3A_181 = arith.addi %add3A_180, %mul3A_179 : i32
      %get3A_182 = arith.index_cast %add3A_181 : i32 to index
      %get3A_183 = tpu.vector_load %arg7[%get3A_182] {strides = array<i32>} : memref<1536xi32, #tpu.memory_space<vmem>>, vector<16xi32>,
      %mul3A_184 = arith.constant 16 : i32
      %mul3A_185 = arith.muli %scan3A_168, %mul3A_184 : i32
      %add3A_186 = arith.constant 1408 : i32
      %add3A_187 = arith.addi %add3A_186, %mul3A_185 : i32
      %get3A_188 = arith.index_cast %add3A_187 : i32 to index
      %get3A_189 = tpu.vector_load %arg7[%get3A_188] {strides = array<i32>} : memref<1536xi32, #tpu.memory_space<vmem>>, vector<16xi32>,
      %mul3A_190 = arith.constant 16 : i32
      %mul3A_191 = vector.broadcast %mul3A_190 : i32 to vector<16xi32>
      %mul3A_192 = arith.muli %get3A_177, %mul3A_191 : vector<16xi32>
      %mul3A_193 = arith.constant 8 : i32
      %mul3A_194 = vector.broadcast %mul3A_193 : i32 to vector<16xi32>
      %mul3A_195 = arith.muli %get3A_183, %mul3A_194 : vector<16xi32>
      %add3A_196 = arith.constant 1664 : i32
      %add3A_197 = vector.broadcast %add3A_196 : i32 to vector<16xi32>
      %add3A_198 = arith.addi %mul3A_195, %add3A_197 : vector<16xi32>
      %mul3A_199 = arith.constant 6 : i32
      %mul3A_200 = vector.broadcast %mul3A_199 : i32 to vector<16xi32>
      %mul3A_201 = arith.muli %get3A_189, %mul3A_200 : vector<16xi32>
      %add3A_202 = arith.constant 1792 : i32
      %add3A_203 = vector.broadcast %add3A_202 : i32 to vector<16xi32>
      %add3A_204 = arith.addi %mul3A_201, %add3A_203 : vector<16xi32>
      %add3A_205 = arith.constant 0 : i32
      %add3A_206 = vector.broadcast %add3A_205 : i32 to vector<16xi32>
      %add3A_207 = arith.addi %mul3A_192, %add3A_206 : vector<16xi32>
      %gather3A = tpu.vector_load_idx %arg8[%add3A_207] : memref<2176xf32, #tpu.memory_space<vmem>>[vector<16xi32>], vector<16xf32>,
      %broadcast_in_dim3A = arith.constant 0 : i32
      %broadcast_in_dim3A_208 = vector.broadcast %broadcast_in_dim3A : i32 to vector<16xi32>
      tpu.vector_store_idx %arg10[%add3A_172, %broadcast_in_dim3A_208], %gather3A : memref<128x16xf32, #tpu.memory_space<vmem>>[vector<16xi32>, vector<16xi32>], vector<16xf32>,
      %add3A_209 = arith.constant 1 : i32
      %add3A_210 = vector.broadcast %add3A_209 : i32 to vector<16xi32>
      %add3A_211 = arith.addi %mul3A_192, %add3A_210 : vector<16xi32>
      %gather3A_212 = tpu.vector_load_idx %arg8[%add3A_211] : memref<2176xf32, #tpu.memory_space<vmem>>[vector<16xi32>], vector<16xf32>,
      %broadcast_in_dim3A_213 = arith.constant 1 : i32
      %broadcast_in_dim3A_214 = vector.broadcast %broadcast_in_dim3A_213 : i32 to vector<16xi32>
      tpu.vector_store_idx %arg10[%add3A_172, %broadcast_in_dim3A_214], %gather3A_212 : memref<128x16xf32, #tpu.memory_space<vmem>>[vector<16xi32>, vector<16xi32>], vector<16xf32>,
      %add3A_215 = arith.constant 2 : i32
      %add3A_216 = vector.broadcast %add3A_215 : i32 to vector<16xi32>
      %add3A_217 = arith.addi %mul3A_192, %add3A_216 : vector<16xi32>
      %gather3A_218 = tpu.vector_load_idx %arg8[%add3A_217] : memref<2176xf32, #tpu.memory_space<vmem>>[vector<16xi32>], vector<16xf32>,
      %broadcast_in_dim3A_219 = arith.constant 2 : i32
      %broadcast_in_dim3A_220 = vector.broadcast %broadcast_in_dim3A_219 : i32 to vector<16xi32>
      tpu.vector_store_idx %arg10[%add3A_172, %broadcast_in_dim3A_220], %gather3A_218 : memref<128x16xf32, #tpu.memory_space<vmem>>[vector<16xi32>, vector<16xi32>], vector<16xf32>,
      %add3A_221 = arith.constant 3 : i32
      %add3A_222 = vector.broadcast %add3A_221 : i32 to vector<16xi32>
      %add3A_223 = arith.addi %mul3A_192, %add3A_222 : vector<16xi32>
      %gather3A_224 = tpu.vector_load_idx %arg8[%add3A_223] : memref<2176xf32, #tpu.memory_space<vmem>>[vector<16xi32>], vector<16xf32>,
      %broadcast_in_dim3A_225 = arith.constant 3 : i32
      %broadcast_in_dim3A_226 = vector.broadcast %broadcast_in_dim3A_225 : i32 to vector<16xi32>
      tpu.vector_store_idx %arg10[%add3A_172, %broadcast_in_dim3A_226], %gather3A_224 : memref<128x16xf32, #tpu.memory_space<vmem>>[vector<16xi32>, vector<16xi32>], vector<16xf32>,
      %add3A_227 = arith.constant 4 : i32
      %add3A_228 = vector.broadcast %add3A_227 : i32 to vector<16xi32>
      %add3A_229 = arith.addi %mul3A_192, %add3A_228 : vector<16xi32>
      %gather3A_230 = tpu.vector_load_idx %arg8[%add3A_229] : memref<2176xf32, #tpu.memory_space<vmem>>[vector<16xi32>], vector<16xf32>,
      %broadcast_in_dim3A_231 = arith.constant 4 : i32
      %broadcast_in_dim3A_232 = vector.broadcast %broadcast_in_dim3A_231 : i32 to vector<16xi32>
      tpu.vector_store_idx %arg10[%add3A_172, %broadcast_in_dim3A_232], %gather3A_230 : memref<128x16xf32, #tpu.memory_space<vmem>>[vector<16xi32>, vector<16xi32>], vector<16xf32>,
      %add3A_233 = arith.constant 5 : i32
      %add3A_234 = vector.broadcast %add3A_233 : i32 to vector<16xi32>
      %add3A_235 = arith.addi %mul3A_192, %add3A_234 : vector<16xi32>
      %gather3A_236 = tpu.vector_load_idx %arg8[%add3A_235] : memref<2176xf32, #tpu.memory_space<vmem>>[vector<16xi32>], vector<16xf32>,
      %broadcast_in_dim3A_237 = arith.constant 5 : i32
      %broadcast_in_dim3A_238 = vector.broadcast %broadcast_in_dim3A_237 : i32 to vector<16xi32>
      tpu.vector_store_idx %arg10[%add3A_172, %broadcast_in_dim3A_238], %gather3A_236 : memref<128x16xf32, #tpu.memory_space<vmem>>[vector<16xi32>, vector<16xi32>], vector<16xf32>,
      %add3A_239 = arith.constant 6 : i32
      %add3A_240 = vector.broadcast %add3A_239 : i32 to vector<16xi32>
      %add3A_241 = arith.addi %mul3A_192, %add3A_240 : vector<16xi32>
      %gather3A_242 = tpu.vector_load_idx %arg8[%add3A_241] : memref<2176xf32, #tpu.memory_space<vmem>>[vector<16xi32>], vector<16xf32>,
      %broadcast_in_dim3A_243 = arith.constant 6 : i32
      %broadcast_in_dim3A_244 = vector.broadcast %broadcast_in_dim3A_243 : i32 to vector<16xi32>
      tpu.vector_store_idx %arg10[%add3A_172, %broadcast_in_dim3A_244], %gather3A_242 : memref<128x16xf32, #tpu.memory_space<vmem>>[vector<16xi32>, vector<16xi32>], vector<16xf32>,
      %add3A_245 = arith.constant 7 : i32
      %add3A_246 = vector.broadcast %add3A_245 : i32 to vector<16xi32>
      %add3A_247 = arith.addi %mul3A_192, %add3A_246 : vector<16xi32>
      %gather3A_248 = tpu.vector_load_idx %arg8[%add3A_247] : memref<2176xf32, #tpu.memory_space<vmem>>[vector<16xi32>], vector<16xf32>,
      %broadcast_in_dim3A_249 = arith.constant 7 : i32
      %broadcast_in_dim3A_250 = vector.broadcast %broadcast_in_dim3A_249 : i32 to vector<16xi32>
      tpu.vector_store_idx %arg10[%add3A_172, %broadcast_in_dim3A_250], %gather3A_248 : memref<128x16xf32, #tpu.memory_space<vmem>>[vector<16xi32>, vector<16xi32>], vector<16xf32>,
      %add3A_251 = arith.constant 8 : i32
      %add3A_252 = vector.broadcast %add3A_251 : i32 to vector<16xi32>
      %add3A_253 = arith.addi %mul3A_192, %add3A_252 : vector<16xi32>
      %gather3A_254 = tpu.vector_load_idx %arg8[%add3A_253] : memref<2176xf32, #tpu.memory_space<vmem>>[vector<16xi32>], vector<16xf32>,
      %broadcast_in_dim3A_255 = arith.constant 8 : i32
      %broadcast_in_dim3A_256 = vector.broadcast %broadcast_in_dim3A_255 : i32 to vector<16xi32>
      tpu.vector_store_idx %arg10[%add3A_172, %broadcast_in_dim3A_256], %gather3A_254 : memref<128x16xf32, #tpu.memory_space<vmem>>[vector<16xi32>, vector<16xi32>], vector<16xf32>,
      %add3A_257 = arith.constant 9 : i32
      %add3A_258 = vector.broadcast %add3A_257 : i32 to vector<16xi32>
      %add3A_259 = arith.addi %mul3A_192, %add3A_258 : vector<16xi32>
      %gather3A_260 = tpu.vector_load_idx %arg8[%add3A_259] : memref<2176xf32, #tpu.memory_space<vmem>>[vector<16xi32>], vector<16xf32>,
      %broadcast_in_dim3A_261 = arith.constant 9 : i32
      %broadcast_in_dim3A_262 = vector.broadcast %broadcast_in_dim3A_261 : i32 to vector<16xi32>
      tpu.vector_store_idx %arg10[%add3A_172, %broadcast_in_dim3A_262], %gather3A_260 : memref<128x16xf32, #tpu.memory_space<vmem>>[vector<16xi32>, vector<16xi32>], vector<16xf32>,
      %add3A_263 = arith.constant 10 : i32
      %add3A_264 = vector.broadcast %add3A_263 : i32 to vector<16xi32>
      %add3A_265 = arith.addi %mul3A_192, %add3A_264 : vector<16xi32>
      %gather3A_266 = tpu.vector_load_idx %arg8[%add3A_265] : memref<2176xf32, #tpu.memory_space<vmem>>[vector<16xi32>], vector<16xf32>,
      %broadcast_in_dim3A_267 = arith.constant 10 : i32
      %broadcast_in_dim3A_268 = vector.broadcast %broadcast_in_dim3A_267 : i32 to vector<16xi32>
      tpu.vector_store_idx %arg10[%add3A_172, %broadcast_in_dim3A_268], %gather3A_266 : memref<128x16xf32, #tpu.memory_space<vmem>>[vector<16xi32>, vector<16xi32>], vector<16xf32>,
      %add3A_269 = arith.constant 11 : i32
      %add3A_270 = vector.broadcast %add3A_269 : i32 to vector<16xi32>
      %add3A_271 = arith.addi %mul3A_192, %add3A_270 : vector<16xi32>
      %gather3A_272 = tpu.vector_load_idx %arg8[%add3A_271] : memref<2176xf32, #tpu.memory_space<vmem>>[vector<16xi32>], vector<16xf32>,
      %broadcast_in_dim3A_273 = arith.constant 11 : i32
      %broadcast_in_dim3A_274 = vector.broadcast %broadcast_in_dim3A_273 : i32 to vector<16xi32>
      tpu.vector_store_idx %arg10[%add3A_172, %broadcast_in_dim3A_274], %gather3A_272 : memref<128x16xf32, #tpu.memory_space<vmem>>[vector<16xi32>, vector<16xi32>], vector<16xf32>,
      %add3A_275 = arith.constant 12 : i32
      %add3A_276 = vector.broadcast %add3A_275 : i32 to vector<16xi32>
      %add3A_277 = arith.addi %mul3A_192, %add3A_276 : vector<16xi32>
      %gather3A_278 = tpu.vector_load_idx %arg8[%add3A_277] : memref<2176xf32, #tpu.memory_space<vmem>>[vector<16xi32>], vector<16xf32>,
      %broadcast_in_dim3A_279 = arith.constant 12 : i32
      %broadcast_in_dim3A_280 = vector.broadcast %broadcast_in_dim3A_279 : i32 to vector<16xi32>
      tpu.vector_store_idx %arg10[%add3A_172, %broadcast_in_dim3A_280], %gather3A_278 : memref<128x16xf32, #tpu.memory_space<vmem>>[vector<16xi32>, vector<16xi32>], vector<16xf32>,
      %add3A_281 = arith.constant 13 : i32
      %add3A_282 = vector.broadcast %add3A_281 : i32 to vector<16xi32>
      %add3A_283 = arith.addi %mul3A_192, %add3A_282 : vector<16xi32>
      %gather3A_284 = tpu.vector_load_idx %arg8[%add3A_283] : memref<2176xf32, #tpu.memory_space<vmem>>[vector<16xi32>], vector<16xf32>,
      %broadcast_in_dim3A_285 = arith.constant 13 : i32
      %broadcast_in_dim3A_286 = vector.broadcast %broadcast_in_dim3A_285 : i32 to vector<16xi32>
      tpu.vector_store_idx %arg10[%add3A_172, %broadcast_in_dim3A_286], %gather3A_284 : memref<128x16xf32, #tpu.memory_space<vmem>>[vector<16xi32>, vector<16xi32>], vector<16xf32>,
      %add3A_287 = arith.constant 14 : i32
      %add3A_288 = vector.broadcast %add3A_287 : i32 to vector<16xi32>
      %add3A_289 = arith.addi %mul3A_192, %add3A_288 : vector<16xi32>
      %gather3A_290 = tpu.vector_load_idx %arg8[%add3A_289] : memref<2176xf32, #tpu.memory_space<vmem>>[vector<16xi32>], vector<16xf32>,
      %broadcast_in_dim3A_291 = arith.constant 14 : i32
      %broadcast_in_dim3A_292 = vector.broadcast %broadcast_in_dim3A_291 : i32 to vector<16xi32>
      tpu.vector_store_idx %arg10[%add3A_172, %broadcast_in_dim3A_292], %gather3A_290 : memref<128x16xf32, #tpu.memory_space<vmem>>[vector<16xi32>, vector<16xi32>], vector<16xf32>,
      %add3A_293 = arith.constant 15 : i32
      %add3A_294 = vector.broadcast %add3A_293 : i32 to vector<16xi32>
      %add3A_295 = arith.addi %mul3A_192, %add3A_294 : vector<16xi32>
      %gather3A_296 = tpu.vector_load_idx %arg8[%add3A_295] : memref<2176xf32, #tpu.memory_space<vmem>>[vector<16xi32>], vector<16xf32>,
      %broadcast_in_dim3A_297 = arith.constant 15 : i32
      %broadcast_in_dim3A_298 = vector.broadcast %broadcast_in_dim3A_297 : i32 to vector<16xi32>
      tpu.vector_store_idx %arg10[%add3A_172, %broadcast_in_dim3A_298], %gather3A_296 : memref<128x16xf32, #tpu.memory_space<vmem>>[vector<16xi32>, vector<16xi32>], vector<16xf32>,
      %add3A_299 = arith.constant 0 : i32
      %add3A_300 = vector.broadcast %add3A_299 : i32 to vector<16xi32>
      %add3A_301 = arith.addi %add3A_198, %add3A_300 : vector<16xi32>
      %gather3A_302 = tpu.vector_load_idx %arg8[%add3A_301] : memref<2176xf32, #tpu.memory_space<vmem>>[vector<16xi32>], vector<16xf32>,
      %broadcast_in_dim3A_303 = arith.constant 0 : i32
      %broadcast_in_dim3A_304 = vector.broadcast %broadcast_in_dim3A_303 : i32 to vector<16xi32>
      tpu.vector_store_idx %arg12[%add3A_172, %broadcast_in_dim3A_304], %gather3A_302 : memref<128x8xf32, #tpu.memory_space<vmem>>[vector<16xi32>, vector<16xi32>], vector<16xf32>,
      %add3A_305 = arith.constant 1 : i32
      %add3A_306 = vector.broadcast %add3A_305 : i32 to vector<16xi32>
      %add3A_307 = arith.addi %add3A_198, %add3A_306 : vector<16xi32>
      %gather3A_308 = tpu.vector_load_idx %arg8[%add3A_307] : memref<2176xf32, #tpu.memory_space<vmem>>[vector<16xi32>], vector<16xf32>,
      %broadcast_in_dim3A_309 = arith.constant 1 : i32
      %broadcast_in_dim3A_310 = vector.broadcast %broadcast_in_dim3A_309 : i32 to vector<16xi32>
      tpu.vector_store_idx %arg12[%add3A_172, %broadcast_in_dim3A_310], %gather3A_308 : memref<128x8xf32, #tpu.memory_space<vmem>>[vector<16xi32>, vector<16xi32>], vector<16xf32>,
      %add3A_311 = arith.constant 2 : i32
      %add3A_312 = vector.broadcast %add3A_311 : i32 to vector<16xi32>
      %add3A_313 = arith.addi %add3A_198, %add3A_312 : vector<16xi32>
      %gather3A_314 = tpu.vector_load_idx %arg8[%add3A_313] : memref<2176xf32, #tpu.memory_space<vmem>>[vector<16xi32>], vector<16xf32>,
      %broadcast_in_dim3A_315 = arith.constant 2 : i32
      %broadcast_in_dim3A_316 = vector.broadcast %broadcast_in_dim3A_315 : i32 to vector<16xi32>
      tpu.vector_store_idx %arg12[%add3A_172, %broadcast_in_dim3A_316], %gather3A_314 : memref<128x8xf32, #tpu.memory_space<vmem>>[vector<16xi32>, vector<16xi32>], vector<16xf32>,
      %add3A_317 = arith.constant 3 : i32
      %add3A_318 = vector.broadcast %add3A_317 : i32 to vector<16xi32>
      %add3A_319 = arith.addi %add3A_198, %add3A_318 : vector<16xi32>
      %gather3A_320 = tpu.vector_load_idx %arg8[%add3A_319] : memref<2176xf32, #tpu.memory_space<vmem>>[vector<16xi32>], vector<16xf32>,
      %broadcast_in_dim3A_321 = arith.constant 3 : i32
      %broadcast_in_dim3A_322 = vector.broadcast %broadcast_in_dim3A_321 : i32 to vector<16xi32>
      tpu.vector_store_idx %arg12[%add3A_172, %broadcast_in_dim3A_322], %gather3A_320 : memref<128x8xf32, #tpu.memory_space<vmem>>[vector<16xi32>, vector<16xi32>], vector<16xf32>,
      %add3A_323 = arith.constant 4 : i32
      %add3A_324 = vector.broadcast %add3A_323 : i32 to vector<16xi32>
      %add3A_325 = arith.addi %add3A_198, %add3A_324 : vector<16xi32>
      %gather3A_326 = tpu.vector_load_idx %arg8[%add3A_325] : memref<2176xf32, #tpu.memory_space<vmem>>[vector<16xi32>], vector<16xf32>,
      %broadcast_in_dim3A_327 = arith.constant 4 : i32
      %broadcast_in_dim3A_328 = vector.broadcast %broadcast_in_dim3A_327 : i32 to vector<16xi32>
      tpu.vector_store_idx %arg12[%add3A_172, %broadcast_in_dim3A_328], %gather3A_326 : memref<128x8xf32, #tpu.memory_space<vmem>>[vector<16xi32>, vector<16xi32>], vector<16xf32>,
      %add3A_329 = arith.constant 5 : i32
      %add3A_330 = vector.broadcast %add3A_329 : i32 to vector<16xi32>
      %add3A_331 = arith.addi %add3A_198, %add3A_330 : vector<16xi32>
      %gather3A_332 = tpu.vector_load_idx %arg8[%add3A_331] : memref<2176xf32, #tpu.memory_space<vmem>>[vector<16xi32>], vector<16xf32>,
      %broadcast_in_dim3A_333 = arith.constant 5 : i32
      %broadcast_in_dim3A_334 = vector.broadcast %broadcast_in_dim3A_333 : i32 to vector<16xi32>
      tpu.vector_store_idx %arg12[%add3A_172, %broadcast_in_dim3A_334], %gather3A_332 : memref<128x8xf32, #tpu.memory_space<vmem>>[vector<16xi32>, vector<16xi32>], vector<16xf32>,
      %add3A_335 = arith.constant 6 : i32
      %add3A_336 = vector.broadcast %add3A_335 : i32 to vector<16xi32>
      %add3A_337 = arith.addi %add3A_198, %add3A_336 : vector<16xi32>
      %gather3A_338 = tpu.vector_load_idx %arg8[%add3A_337] : memref<2176xf32, #tpu.memory_space<vmem>>[vector<16xi32>], vector<16xf32>,
      %broadcast_in_dim3A_339 = arith.constant 6 : i32
      %broadcast_in_dim3A_340 = vector.broadcast %broadcast_in_dim3A_339 : i32 to vector<16xi32>
      tpu.vector_store_idx %arg12[%add3A_172, %broadcast_in_dim3A_340], %gather3A_338 : memref<128x8xf32, #tpu.memory_space<vmem>>[vector<16xi32>, vector<16xi32>], vector<16xf32>,
      %add3A_341 = arith.constant 7 : i32
      %add3A_342 = vector.broadcast %add3A_341 : i32 to vector<16xi32>
      %add3A_343 = arith.addi %add3A_198, %add3A_342 : vector<16xi32>
      %gather3A_344 = tpu.vector_load_idx %arg8[%add3A_343] : memref<2176xf32, #tpu.memory_space<vmem>>[vector<16xi32>], vector<16xf32>,
      %broadcast_in_dim3A_345 = arith.constant 7 : i32
      %broadcast_in_dim3A_346 = vector.broadcast %broadcast_in_dim3A_345 : i32 to vector<16xi32>
      tpu.vector_store_idx %arg12[%add3A_172, %broadcast_in_dim3A_346], %gather3A_344 : memref<128x8xf32, #tpu.memory_space<vmem>>[vector<16xi32>, vector<16xi32>], vector<16xf32>,
      %add3A_347 = arith.constant 0 : i32
      %add3A_348 = vector.broadcast %add3A_347 : i32 to vector<16xi32>
      %add3A_349 = arith.addi %add3A_204, %add3A_348 : vector<16xi32>
      %gather3A_350 = tpu.vector_load_idx %arg8[%add3A_349] : memref<2176xf32, #tpu.memory_space<vmem>>[vector<16xi32>], vector<16xf32>,
      %broadcast_in_dim3A_351 = arith.constant 0 : i32
      %broadcast_in_dim3A_352 = vector.broadcast %broadcast_in_dim3A_351 : i32 to vector<16xi32>
      tpu.vector_store_idx %arg14[%add3A_172, %broadcast_in_dim3A_352], %gather3A_350 : memref<128x6xf32, #tpu.memory_space<vmem>>[vector<16xi32>, vector<16xi32>], vector<16xf32>,
      %add3A_353 = arith.constant 1 : i32
      %add3A_354 = vector.broadcast %add3A_353 : i32 to vector<16xi32>
      %add3A_355 = arith.addi %add3A_204, %add3A_354 : vector<16xi32>
      %gather3A_356 = tpu.vector_load_idx %arg8[%add3A_355] : memref<2176xf32, #tpu.memory_space<vmem>>[vector<16xi32>], vector<16xf32>,
      %broadcast_in_dim3A_357 = arith.constant 1 : i32
      %broadcast_in_dim3A_358 = vector.broadcast %broadcast_in_dim3A_357 : i32 to vector<16xi32>
      tpu.vector_store_idx %arg14[%add3A_172, %broadcast_in_dim3A_358], %gather3A_356 : memref<128x6xf32, #tpu.memory_space<vmem>>[vector<16xi32>, vector<16xi32>], vector<16xf32>,
      %add3A_359 = arith.constant 2 : i32
      %add3A_360 = vector.broadcast %add3A_359 : i32 to vector<16xi32>
      %add3A_361 = arith.addi %add3A_204, %add3A_360 : vector<16xi32>
      %gather3A_362 = tpu.vector_load_idx %arg8[%add3A_361] : memref<2176xf32, #tpu.memory_space<vmem>>[vector<16xi32>], vector<16xf32>,
      %broadcast_in_dim3A_363 = arith.constant 2 : i32
      %broadcast_in_dim3A_364 = vector.broadcast %broadcast_in_dim3A_363 : i32 to vector<16xi32>
      tpu.vector_store_idx %arg14[%add3A_172, %broadcast_in_dim3A_364], %gather3A_362 : memref<128x6xf32, #tpu.memory_space<vmem>>[vector<16xi32>, vector<16xi32>], vector<16xf32>,
      %add3A_365 = arith.constant 3 : i32
      %add3A_366 = vector.broadcast %add3A_365 : i32 to vector<16xi32>
      %add3A_367 = arith.addi %add3A_204, %add3A_366 : vector<16xi32>
      %gather3A_368 = tpu.vector_load_idx %arg8[%add3A_367] : memref<2176xf32, #tpu.memory_space<vmem>>[vector<16xi32>], vector<16xf32>,
      %broadcast_in_dim3A_369 = arith.constant 3 : i32
      %broadcast_in_dim3A_370 = vector.broadcast %broadcast_in_dim3A_369 : i32 to vector<16xi32>
      tpu.vector_store_idx %arg14[%add3A_172, %broadcast_in_dim3A_370], %gather3A_368 : memref<128x6xf32, #tpu.memory_space<vmem>>[vector<16xi32>, vector<16xi32>], vector<16xf32>,
      %add3A_371 = arith.constant 4 : i32
      %add3A_372 = vector.broadcast %add3A_371 : i32 to vector<16xi32>
      %add3A_373 = arith.addi %add3A_204, %add3A_372 : vector<16xi32>
      %gather3A_374 = tpu.vector_load_idx %arg8[%add3A_373] : memref<2176xf32, #tpu.memory_space<vmem>>[vector<16xi32>], vector<16xf32>,
      %broadcast_in_dim3A_375 = arith.constant 4 : i32
      %broadcast_in_dim3A_376 = vector.broadcast %broadcast_in_dim3A_375 : i32 to vector<16xi32>
      tpu.vector_store_idx %arg14[%add3A_172, %broadcast_in_dim3A_376], %gather3A_374 : memref<128x6xf32, #tpu.memory_space<vmem>>[vector<16xi32>, vector<16xi32>], vector<16xf32>,
      %add3A_377 = arith.constant 5 : i32
      %add3A_378 = vector.broadcast %add3A_377 : i32 to vector<16xi32>
      %add3A_379 = arith.addi %add3A_204, %add3A_378 : vector<16xi32>
      %gather3A_380 = tpu.vector_load_idx %arg8[%add3A_379] : memref<2176xf32, #tpu.memory_space<vmem>>[vector<16xi32>], vector<16xf32>,
      %broadcast_in_dim3A_381 = arith.constant 5 : i32
      %broadcast_in_dim3A_382 = vector.broadcast %broadcast_in_dim3A_381 : i32 to vector<16xi32>
      tpu.vector_store_idx %arg14[%add3A_172, %broadcast_in_dim3A_382], %gather3A_380 : memref<128x6xf32, #tpu.memory_space<vmem>>[vector<16xi32>, vector<16xi32>], vector<16xf32>,
    }
    %scan3A_129 = arith.constant 8 : i32
    %add3A_130 = arith.constant 384 : i32
    %add3A_131 = arith.addi %mul3A_2, %add3A_130 : i32
    %dma_start3A_132 = arith.constant 0 : i32
    %dma_start3A_133 = tpu.memref_slice %arg4[%add3A_131, %dma_start3A_132] : memref<16384x16xf32, #tpu.memory_space<hbm>> -> memref<128x16xf32, #tpu.memory_space<hbm>>
    %dma_start3A_134 = arith.constant 0 : i32
    %dma_start3A_135 = tpu.memref_slice %arg4[%add3A_131, %dma_start3A_134] : memref<16384x16xf32, #tpu.memory_space<hbm>> -> memref<128x16xf32, #tpu.memory_space<hbm>>
    tpu.enqueue_dma source(%arg10 : memref<128x16xf32, #tpu.memory_space<vmem>>) target(%dma_start3A_135 : memref<128x16xf32, #tpu.memory_space<hbm>>) target_semaphore(%arg17 : memref<!tpu.dma_semaphore, #tpu.memory_space<semaphore_mem>>)
    %dma_start3A_136 = arith.constant 0 : i32
    %dma_start3A_137 = tpu.memref_slice %arg5[%add3A_131, %dma_start3A_136] : memref<16384x8xf32, #tpu.memory_space<hbm>> -> memref<128x8xf32, #tpu.memory_space<hbm>>
    %dma_start3A_138 = arith.constant 0 : i32
    %dma_start3A_139 = tpu.memref_slice %arg5[%add3A_131, %dma_start3A_138] : memref<16384x8xf32, #tpu.memory_space<hbm>> -> memref<128x8xf32, #tpu.memory_space<hbm>>
    tpu.enqueue_dma source(%arg12 : memref<128x8xf32, #tpu.memory_space<vmem>>) target(%dma_start3A_139 : memref<128x8xf32, #tpu.memory_space<hbm>>) target_semaphore(%arg17 : memref<!tpu.dma_semaphore, #tpu.memory_space<semaphore_mem>>)
    %dma_start3A_140 = arith.constant 0 : i32
    %dma_start3A_141 = tpu.memref_slice %arg6[%add3A_131, %dma_start3A_140] : memref<16384x6xf32, #tpu.memory_space<hbm>> -> memref<128x6xf32, #tpu.memory_space<hbm>>
    %dma_start3A_142 = arith.constant 0 : i32
    %dma_start3A_143 = tpu.memref_slice %arg6[%add3A_131, %dma_start3A_142] : memref<16384x6xf32, #tpu.memory_space<hbm>> -> memref<128x6xf32, #tpu.memory_space<hbm>>
    tpu.enqueue_dma source(%arg14 : memref<128x6xf32, #tpu.memory_space<vmem>>) target(%dma_start3A_143 : memref<128x6xf32, #tpu.memory_space<hbm>>) target_semaphore(%arg17 : memref<!tpu.dma_semaphore, #tpu.memory_space<semaphore_mem>>)
    %dma_wait3A_144 = arith.constant 0 : i32
    %dma_wait3A_145 = tpu.memref_slice %arg4[%add3A_99, %dma_wait3A_144] : memref<16384x16xf32, #tpu.memory_space<hbm>> -> memref<128x16xf32, #tpu.memory_space<hbm>>
    %dma_wait3A_146 = arith.constant 0 : i32
    %dma_wait3A_147 = tpu.memref_slice %arg4[%add3A_99, %dma_wait3A_146] : memref<16384x16xf32, #tpu.memory_space<hbm>> -> memref<128x16xf32, #tpu.memory_space<hbm>>
    tpu.wait_dma2 semaphore(%arg16 : memref<!tpu.dma_semaphore, #tpu.memory_space<semaphore_mem>>) src(%arg9 : memref<128x16xf32, #tpu.memory_space<vmem>>) dst(%dma_wait3A_147 : memref<128x16xf32, #tpu.memory_space<hbm>>)
    %dma_wait3A_148 = arith.constant 0 : i32
    %dma_wait3A_149 = tpu.memref_slice %arg5[%add3A_99, %dma_wait3A_148] : memref<16384x8xf32, #tpu.memory_space<hbm>> -> memref<128x8xf32, #tpu.memory_space<hbm>>
    %dma_wait3A_150 = arith.constant 0 : i32
    %dma_wait3A_151 = tpu.memref_slice %arg5[%add3A_99, %dma_wait3A_150] : memref<16384x8xf32, #tpu.memory_space<hbm>> -> memref<128x8xf32, #tpu.memory_space<hbm>>
    tpu.wait_dma2 semaphore(%arg16 : memref<!tpu.dma_semaphore, #tpu.memory_space<semaphore_mem>>) src(%arg11 : memref<128x8xf32, #tpu.memory_space<vmem>>) dst(%dma_wait3A_151 : memref<128x8xf32, #tpu.memory_space<hbm>>)
    %dma_wait3A_152 = arith.constant 0 : i32
    %dma_wait3A_153 = tpu.memref_slice %arg6[%add3A_99, %dma_wait3A_152] : memref<16384x6xf32, #tpu.memory_space<hbm>> -> memref<128x6xf32, #tpu.memory_space<hbm>>
    %dma_wait3A_154 = arith.constant 0 : i32
    %dma_wait3A_155 = tpu.memref_slice %arg6[%add3A_99, %dma_wait3A_154] : memref<16384x6xf32, #tpu.memory_space<hbm>> -> memref<128x6xf32, #tpu.memory_space<hbm>>
    tpu.wait_dma2 semaphore(%arg16 : memref<!tpu.dma_semaphore, #tpu.memory_space<semaphore_mem>>) src(%arg13 : memref<128x6xf32, #tpu.memory_space<vmem>>) dst(%dma_wait3A_155 : memref<128x6xf32, #tpu.memory_space<hbm>>)
    %dma_wait3A_156 = arith.constant 0 : i32
    %dma_wait3A_157 = tpu.memref_slice %arg4[%add3A_131, %dma_wait3A_156] : memref<16384x16xf32, #tpu.memory_space<hbm>> -> memref<128x16xf32, #tpu.memory_space<hbm>>
    %dma_wait3A_158 = arith.constant 0 : i32
    %dma_wait3A_159 = tpu.memref_slice %arg4[%add3A_131, %dma_wait3A_158] : memref<16384x16xf32, #tpu.memory_space<hbm>> -> memref<128x16xf32, #tpu.memory_space<hbm>>
    tpu.wait_dma2 semaphore(%arg17 : memref<!tpu.dma_semaphore, #tpu.memory_space<semaphore_mem>>) src(%arg10 : memref<128x16xf32, #tpu.memory_space<vmem>>) dst(%dma_wait3A_159 : memref<128x16xf32, #tpu.memory_space<hbm>>)
    %dma_wait3A_160 = arith.constant 0 : i32
    %dma_wait3A_161 = tpu.memref_slice %arg5[%add3A_131, %dma_wait3A_160] : memref<16384x8xf32, #tpu.memory_space<hbm>> -> memref<128x8xf32, #tpu.memory_space<hbm>>
    %dma_wait3A_162 = arith.constant 0 : i32
    %dma_wait3A_163 = tpu.memref_slice %arg5[%add3A_131, %dma_wait3A_162] : memref<16384x8xf32, #tpu.memory_space<hbm>> -> memref<128x8xf32, #tpu.memory_space<hbm>>
    tpu.wait_dma2 semaphore(%arg17 : memref<!tpu.dma_semaphore, #tpu.memory_space<semaphore_mem>>) src(%arg12 : memref<128x8xf32, #tpu.memory_space<vmem>>) dst(%dma_wait3A_163 : memref<128x8xf32, #tpu.memory_space<hbm>>)
    %dma_wait3A_164 = arith.constant 0 : i32
    %dma_wait3A_165 = tpu.memref_slice %arg6[%add3A_131, %dma_wait3A_164] : memref<16384x6xf32, #tpu.memory_space<hbm>> -> memref<128x6xf32, #tpu.memory_space<hbm>>
    %dma_wait3A_166 = arith.constant 0 : i32
    %dma_wait3A_167 = tpu.memref_slice %arg6[%add3A_131, %dma_wait3A_166] : memref<16384x6xf32, #tpu.memory_space<hbm>> -> memref<128x6xf32, #tpu.memory_space<hbm>>
    tpu.wait_dma2 semaphore(%arg17 : memref<!tpu.dma_semaphore, #tpu.memory_space<semaphore_mem>>) src(%arg14 : memref<128x6xf32, #tpu.memory_space<vmem>>) dst(%dma_wait3A_167 : memref<128x6xf32, #tpu.memory_space<hbm>>)
    return
  }
}

</mosaic_0001>

<sc_bundles>
// kernel: kernel.3.cloned.1.call-start
scs
__scs_entry_jumppad:
0x0: {  	(pc) =	sbr.rel $0x88, $3  }
0x1: {  	(tag) =	ssettag $0x0;
	lr =	simm.s32 $0x1  }
0x2: {  	[smem:$0x3F9D] =	sst lr;
	_ =	strace $0xD0000000  }
0x3: {  	_ = 	snop  }
0x4: {  	_ = 	snop  }
0x5: {  	_ = 	snop  }
0x6: {  	_ = 	snop  }
0x7: {  	_ = 	snop  }
__scs_overlays_trampoline_lowered:
0x8: {  	[smem:$0x3FAC] =	sst s0  }
0x9: {  	[smem:$0x3FAD] =	sst s1  }
0xa: {  	[smem:$0x3FAE] =	sst s2  }
0xb: {  	[smem:$0x3FAF] =	sst s3  }
0xc: {  	[smem:$0x3FB0] =	sst s4  }
0xd: {  	[smem:$0x3FB1] =	sst s5  }
0xe: {  	[smem:$0x3FB2] =	sst s6  }
0xf: {  	[smem:$0x3FB3] =	sst s7  }
0x10: {  	[smem:$0x3FB4] =	sst s8  }
0x11: {  	[smem:$0x3FB5] =	sst s9;
	s0 =	simm.s32 @!p0 $0x0  }
0x12: {  	s1 =	sld [smem:$0x3F9B];
	s0 =	simm.s32 @p0 $0x1  }
0x13: {  	[smem:$0x3FB6] =	sst s0;
	s0 =	simm.s32 @!p1 $0x0  }
0x14: {  	s2 =	sld [smem:$0x3F9A];
	s0 =	simm.s32 @p1 $0x1  }
0x15: {  	[smem:$0x3FB7] =	sst s0;
	s0 =	simm.s32 @!p2 $0x0  }
0x16: {  	s3 =	sld [smem:$0x3FDB];
	s0 =	simm.s32 @p2 $0x1  }
0x17: {  	s4 =	simm.s32 $0x1BF5;
	[smem:$0x3FB9] =	sst s0  }
0x18: {  	s0 =	sld [smem:$0x3F9C];
	_ =	swait.ge [sflag:s4], $0x0  }
0x19: {  	s7 =	sld [smem:$0x3F9D]  }
0x1a: {  	s8 =	sadd.s32 $0xFFFFE003, lr  }
0x1b: {  	s9 =	sadd.s32 $0xFFFFFEF7, lr;
	s5 =	simm.s32 $0xFFFFFFFF;
	p2 =	slt.u32 s8, $0xFFFFF086  }
0x1c: {  	p1 =	slt.u32 s9, $0xF7A;
	s5 =	simm.s32 @!p2 $0x0  }
0x1d: {  	s5 =	simm.s32 @p1 $0x1;
	p0 =	seq.s32 s7, s2  }
0x1e: {  	s7 =	smul.u32 @!p0 $0xF7A, s2;
	p2 =	seq.s32 @!p0 s5, $0x0  }
0x1f: {  	s9 =	smul.u32 $0xF7A, s1;
	s8 =	simm.s32 @!p0 $0x1BF5;
	p2 =	por !p2, p0  }
0x20: {  	[sflag:s8] =	ssyncset.s32 @!p0 $0xFFFFF086;
	s6 =	sadd.s32 @!p0 s3, s7;
	s7 =	simm.s32 @!p0 $0x108  }
0x21: {  	s3 =	sadd.s32 s3, s9;
	s6 =	sadd.s32 @!p0 $0x88, s6;
	s7 =	simm.s32 @p2 $0x1082  }
0x22: {  	[simem:s7], [sflag:s8] =	dma.local @!p0 [hbm:s6], $0xF7A  }
0x23: {  	s9 =	sor.u32 $0xD0000000, s2;
	s6 =	simm.s32 $0x108;
	_ =	swait.ge @!p0 [sflag:s8], $0x0  }
0x24: {  	s3 =	sadd.s32 $0x88, s3;
	s6 =	simm.s32 @!p1 $0x1082;
	[sflag:s4] =	ssyncset.s32 $0xFFFFF086  }
0x25: {  	[simem:s6], [sflag:s4] =	dma.local [hbm:s3], $0xF7A  }
0x26: {  	[smem:$0x3F9D] =	sst s1;
	(tag) =	ssettag s2;
	_ =	strace s9  }
0x27: {  	s1 =	sld [smem:$0x3FAD]  }
0x28: {  	s2 =	sld [smem:$0x3FAE]  }
0x29: {  	s4 =	sld [smem:$0x3FB0]  }
0x2a: {  	p0 =	seq.s32 s5, $0x0;
	s5 =	sld [smem:$0x3FB1]  }
0x2b: {  	s6 =	sld [smem:$0x3FB2]  }
0x2c: {  	s7 =	sld [smem:$0x3FB3]  }
0x2d: {  	s3 =	simm.s32 $0x108;
	s8 =	sld [smem:$0x3FB4]  }
0x2e: {  	s3 =	simm.s32 @!p0 $0x1082;
	s9 =	sld [smem:$0x3FB5]  }
0x2f: {  	lr =	sadd.s32 s0, s3;
	s0 =	sld [smem:$0x3FAC]  }
0x30: {  	s3 =	sld [smem:$0x3FAF]  }
0x31: {  	[smem:$0x3FB8] =	sst s10  }
0x32: {  	s10 =	sld [smem:$0x3FB6];
	_ =	sdelay $0x3  }
0x33: {  	p0 =	seq.s32 s10, $0x1;
	s10 =	sld [smem:$0x3FB8];
	_ =	sdelay $0x3  }
0x34: {  	[smem:$0x3FB8] =	sst s10  }
0x35: {  	s10 =	sld [smem:$0x3FB7];
	_ =	sdelay $0x3  }
0x36: {  	p1 =	seq.s32 s10, $0x1;
	s10 =	sld [smem:$0x3FB8];
	_ =	sdelay $0x3  }
0x37: {  	[smem:$0x3FB8] =	sst s10  }
0x38: {  	s10 =	sld [smem:$0x3FB9]  }
0x39: {  	_ = 	snop;
	(pc) =	sbr.ind lr, $3  }
0x3a: {  	_ = 	snop  }
0x3b: {  	_ = 	snop  }
0x3c: {  	p2 =	seq.s32 s10, $0x1;
	s10 =	sld [smem:$0x3FB8]  }
0x3d: {  	_ =	shalt  }
0x3e: {  	_ =	shalt  }
0x3f: {  	_ =	shalt  }
0x40: {  	_ =	shalt  }
0x41: {  	_ =	shalt  }
0x42: {  	_ =	shalt  }
0x43: {  	_ =	shalt  }
0x44: {  	_ =	shalt  }
0x45: {  	_ =	shalt  }
0x46: {  	_ =	shalt  }
0x47: {  	_ =	shalt  }
0x48: {  	_ =	shalt  }
0x49: {  	_ =	shalt  }
0x4a: {  	_ =	shalt  }
0x4b: {  	_ =	shalt  }
0x4c: {  	_ =	shalt  }
0x4d: {  	_ =	shalt  }
0x4e: {  	_ =	shalt  }
0x4f: {  	_ =	shalt  }
0x50: {  	_ =	shalt  }
0x51: {  	_ =	shalt  }
0x52: {  	_ =	shalt  }
0x53: {  	_ =	shalt  }
0x54: {  	_ =	shalt  }
0x55: {  	_ =	shalt  }
0x56: {  	_ =	shalt  }
0x57: {  	_ =	shalt  }
0x58: {  	_ =	shalt  }
0x59: {  	_ =	shalt  }
0x5a: {  	_ =	shalt  }
0x5b: {  	_ =	shalt  }
0x5c: {  	_ =	shalt  }
0x5d: {  	_ =	shalt  }
0x5e: {  	_ =	shalt  }
0x5f: {  	_ =	shalt  }
0x60: {  	_ =	shalt  }
0x61: {  	_ =	shalt  }
0x62: {  	_ =	shalt  }
0x63: {  	_ =	shalt  }
0x64: {  	_ =	shalt  }
0x65: {  	_ =	shalt  }
0x66: {  	_ =	shalt  }
0x67: {  	_ =	shalt  }
0x68: {  	_ =	shalt  }
0x69: {  	_ =	shalt  }
0x6a: {  	_ =	shalt  }
0x6b: {  	_ =	shalt  }
0x6c: {  	_ =	shalt  }
0x6d: {  	_ =	shalt  }
0x6e: {  	_ =	shalt  }
0x6f: {  	_ =	shalt  }
0x70: {  	_ =	shalt  }
0x71: {  	_ =	shalt  }
0x72: {  	_ =	shalt  }
0x73: {  	_ =	shalt  }
0x74: {  	_ =	shalt  }
0x75: {  	_ =	shalt  }
0x76: {  	_ =	shalt  }
0x77: {  	_ =	shalt  }
0x78: {  	_ =	shalt  }
0x79: {  	_ =	shalt  }
0x7a: {  	_ =	shalt  }
0x7b: {  	_ =	shalt  }
0x7c: {  	_ =	shalt  }
0x7d: {  	_ =	shalt  }
0x7e: {  	_ =	shalt  }
0x7f: {  	_ =	shalt  }
0x80: {  	_ =	shalt  }
0x81: {  	_ =	shalt  }
0x82: {  	_ =	shalt  }
0x83: {  	_ =	shalt  }
0x84: {  	_ =	shalt  }
0x85: {  	_ =	shalt  }
0x86: {  	_ =	shalt  }
0x87: {  	_ =	shalt  }
.Lfunc_end0:
.L_simem_size_0:
called_computation_lowered:
.L_overlay_start_0:
0x88: {  	s2 =	sld [smem:$0x3FD9]  }
0x89: {  	s3 =	sld [smem:$0x3FFE];
	_ =	sdelay $0x1  }
0x8a: {  	s1 =	srdreg.scid  }
0x8b: {  	s0 =	sand.u32 $0x1, s1  }
0x8c: {  	s14 =	sshll.u32 s0, $0xA;
	s2 =	sadd.s32 s3, s2  }
0x8d: {  	s2 =	sadd.s32 s2, s14  }
0x8e: {  	[smem:$0x3FC4] =	sst s2  }
0x8f: {  	_ = 	snop  }
0x90: {  	s2 =	sld [smem:$0x3FD0];
	_ =	sdelay $0x2  }
0x91: {  	s15 =	simm.s32 $0xA;
	s4 =	simm.s32 $0x10  }
0x92: {  	[smem:s4], [sflag:s15] =	dma.local [hbm:s2], $0x1  }
0x93: {  	_ =	swait.eq [sflag:s15], $0x1  }
0x94: {  	[sflag:s15] =	ssyncset.done $0x0  }
0x95: {  	s16 =	sld [smem:$0x11];
	[sflag:s15] =	ssyncadd.s32 $0xFFFFFFFF  }
0x96: {  	s17 =	sld [smem:$0x12];
	(tm) =	ssettm $0x1  }
0x97: {  	s18 =	sld [smem:$0x3FFB];
	_ =	sdelay $0x3  }
0x98: {  	_ =	strace s18  }
0x99: {  	s4 =	sld [smem:$0x3FFC];
	_ =	sdelay $0x3  }
0x9a: {  	_ =	strace s4  }
0x9b: {  	s4 =	sld [smem:$0x3FFD];
	_ =	sdelay $0x3  }
0x9c: {  	_ =	strace s4  }
0x9d: {  	_ =	strace $0x8FFFFFFF  }
0x9e: {  	s19 =	sld [smem:$0x3FDB];
	_ =	sdelay $0x1  }
0x9f: {  	s5 =	simm.s32 $_scs_section_size  }
0xa0: {  	s6 =	simm.s32 $_size__tile_overlayer_lowered;
	s7 =	simm.s32 $_tile_overlayer_lowered  }
0xa1: {  	s22 =	simm.s32 $0x1BFF;
	s21 =	sshll.u32 s7, $0x1;
	s4 =	sadd.s32 s5, s19  }
0xa2: {  	s8 =	simm.s32 $0x0;
	s20 =	sshll.u32 s6, $0x1;
	s6 =	sadd.s32 s21, s4  }
0xa3: {  	[timem:s8], [sflag:s22] =	dma.local [hbm:s6], s20  }
0xa4: {  	_ =	swait.ge [sflag:s22], s20  }
0xa5: {  	s5 =	ssub.s32 $0x0, s20;
	[sflag:s22] =	ssyncset.done $0x0  }
0xa6: {  	[sflag:s22] =	ssyncadd.s32 s5;
	_ =	sdelay $0x1  }
0xa7: {  	s23 =	simm.s32 $0x1B8B  }
0xa8: {  	_ =	swait.ge [sflag:s23], $0x1  }
0xa9: {  	[sflag:s23] =	ssyncset.done $0x0  }
0xaa: {  	s25 =	simm.s32 $0x1B8E;
	s24 =	sld [smem:$0x3FFE];
	[sflag:s23] =	ssyncadd.s32 $0xFFFFFFFF  }
0xab: {  	s26 =	simm.s32 $execute0_lowered;
	[smem:$0x3FD2] =	sst s25  }
0xac: {  	s6 =	sshll.u32 s26, $0x1;
	_ =	strace $0x80000046;
	[dreg:$0x1] =	wrdreg $0xFFFFFFFF  }
0xad: {  	s28 =	simm.s32 $_size_execute0_lowered;
	s4 =	sadd.s32 s4, s6;
	[dreg:$0x0] =	wrdreg $0x0  }
0xae: {  	s6 =	sshll.u32 s28, $0x1;
	[dreg:$0x2] =	wrdreg s4  }
0xaf: {  	[dreg:$0x3] =	wrdreg s6  }
0xb0: {  	[dreg:$0x4] =	wrdreg $0xC0  }
0xb1: {  	_ =	task [dreg:s8], $0x5FFFF  }
0xb2: {  	[dreg:$0x1] =	wrdreg $0xFFFFFFFF  }
0xb3: {  	[dreg:$0x0] =	wrdreg $0x60  }
0xb4: {  	[dreg:$0x2] =	wrdreg s17  }
0xb5: {  	[dreg:$0x3] =	wrdreg s16  }
0xb6: {  	[dreg:$0x4] =	wrdreg s24  }
0xb7: {  	[dreg:$0x5] =	wrdreg $0x9  }
0xb8: {  	_ =	task.clear_ibuf [dreg:s8], $0x6FFFF;
	_ =	strace $0x90000046  }
0xb9: {  	s29 =	simm.s32 $0x9;
	_ =	strace $0x80000048  }
0xba: {  	_ =	swait.ge [sflag:s29], $0x1  }
0xbb: {  	[sflag:s29] =	ssyncadd.s32 $0xFFFFFFFF  }
0xbc: {  	_ =	strace $0x90000048  }
0xbd: {  	_ =	sfence  }
0xbe: {  	s30 =	sld [smem:$0x0];
	_ =	sdelay $0x2  }
0xbf: {  	s31 =	sshll.u32 s1, $0xD;
	s1 =	sshrl.u32 s1, $0x2  }
0xc0: {  	s3 =	sand.u32 $0x4000, s31;
	s1 =	sadd.s32 s1, s30  }
0xc1: {  	s0 =	sor.u32 s3, s0;
	s1 =	sshll.u32 s1, $0x11  }
0xc2: {  	s0 =	sor.u32 s1, s0  }
0xc3: {  	s0 =	sadd.s32 $0x8F2B, s0  }
0xc4: {  	[sflag:s0] =	ssyncadd.remote.s32 $0x1  }
0xc5: {  	_ =	sfence.sel $0xFFFF  }
0xc6: {  	[dreg:$0x0] =	wrdreg $0xFFFFFFFF;
	(pc) =	sbr.abs _section_cstart, $3  }
0xc7: {  	[dreg:$0x1] =	wrdreg $0xFFFFFFFF  }
0xc8: {  	_ =	task.clear_ibuf [dreg:s8], $0x2FFFF;
	_ =	strace $0x9FFFFFFF  }
0xc9: {  	(tm) =	ssettm $0x7FFFFFFF  }
tec
execute0_lowered:
.L_overlay_start_1:
0x0: {  	(tag) =	ssettag $0x1  }
0x1: {  	s0 =	rddreg [dreg:$0x0]  }
0x2: {  	s1 =	rddreg [dreg:$0x2];
	s3 =	simm.s32 $0x0;
	s2 =	srdreg.scid  }
0x3: {  	s4 =	stileid.u32;
	s20 =	simm.s32 $0x600;
	s22 =	simm.s32 $0x1  }
0x4: {  	s23 =	simm.s32 $0xE80;
	s24 =	simm.s32 $0x8E80;
	s28 =	simm.s32 $0xCE80  }
0x5: {  	s29 =	simm.s32 $0x14E80;
	s30 =	simm.s32 $0x2;
	s31 =	simm.s32 $0x3  }
0x6: {  	[smem:$0x7FF] =	sst s3;
	s2 =	sand.u32 $0x1, s2;
	s16 =	sadd.s32 $0x1400, s1  }
0x7: {  	s4 =	sshll.u32 s4, $0xA;
	s17 =	sadd.s32 $0x41400, s1;
	s5 =	sshll.u32 s2, $0x9  }
0x8: {  	s1 =	sadd.s32 $0x81400, s1;
	s2 =	ssub.s32 $0x2, s2;
	s5 =	sor.u32 s5, s4  }
0x9: {  	_ =	strace $0x80000047;
	s25 =	sshrl.u32 s2, $0x1;
	s6 =	sshrl.u32 s5, $0x3  }
0xa: {  	s2 =	ssub.s32 s2, s25;
	s26 =	sshll.u32 s5, $0x4;
	s25 =	simm.s32 $0x10E80  }
0xb: {  	s4 =	sadd.s32 s0, s6;
	s7 =	sadd.s32 s16, s26;
	s8 =	sadd.s32 s17, s26  }
0xc: {  	s9 =	sadd.s32 s1, s26;
	s12 =	sor.u32 $0x800, s26;
	s15 =	sor.u32 $0x1000, s26  }
0xd: {  	s0 =	sor.u32 $0x1800, s26;
	s19 =	smax.u32 s2, $0x1;
	s26 =	simm.s32 $0x4E80  }
0xe: {  	s5 =	sadd.s32 $0x800, s4;
	s6 =	sadd.s32 $0x1000, s4;
	s10 =	sadd.s32 s16, s12  }
0xf: {  	s11 =	sadd.s32 s17, s12;
	s12 =	sadd.s32 s1, s12;
	s13 =	sadd.s32 s16, s15  }
0x10: {  	v0 =	vlaneseq.u32;
	s14 =	sadd.s32 s17, s15;
	s15 =	sadd.s32 s1, s15;
	s16 =	sadd.s32 s16, s0  }
0x11: {  	v0 =	vmul.u32 $0x80, v0;
	s17 =	sadd.s32 s17, s0;
	s18 =	sadd.s32 s1, s0;
	s0 =	simm.s32 $0x0  }
.LBB2_1:
0x12: {  	s1 =	rddreg [dreg:$0x1]  }
0x13: {  	[tilespmem:s20], [sflag:$0x1] =	stream.linear.gather [hbm4b:s1+s3], $0x880, $0x38;
	[tilespmem:$0x18E80] =	vst v63  }
0x14: {  	_ = 	snop  }
0x15: {  	[tilespmem:s3], [sflag:$0x1] =	stream.linear.gather [hbm4b:s4+s3], $0x200, $0x38;
	[tilespmem:$0x18E80] =	vst v63  }
0x16: {  	s21 =	simm.s32 $0x200  }
0x17: {  	[tilespmem:s21], [sflag:$0x1] =	stream.linear.gather [hbm4b:s5+s3], $0x200, $0x38;
	[tilespmem:$0x18E80] =	vst v63  }
0x18: {  	s2 =	simm.s32 $0x400  }
0x19: {  	[tilespmem:s2], [sflag:$0x1] =	stream.linear.gather [hbm4b:s6+s3], $0x200, $0x38;
	[tilespmem:$0x18E80] =	vst v63  }
0x1a: {  	_ =	swait.ge [sflag:s22], $0x880  }
0x1b: {  	[sflag:s22] =	ssyncset.done $0x0  }
0x1c: {  	[sflag:s22] =	ssyncadd.s32 $0xFFFFF780  }
0x1d: {  	_ =	swait.ge [sflag:s22], $0x200  }
0x1e: {  	[sflag:s22] =	ssyncset.done $0x0  }
0x1f: {  	[sflag:s22] =	ssyncadd.s32 $0xFFFFFE00  }
0x20: {  	_ =	swait.ge [sflag:s22], $0x200  }
0x21: {  	[sflag:s22] =	ssyncset.done $0x0  }
0x22: {  	[sflag:s22] =	ssyncadd.s32 $0xFFFFFE00  }
0x23: {  	_ =	swait.ge [sflag:s22], $0x200  }
0x24: {  	[sflag:s22] =	ssyncset.done $0x0  }
0x25: {  	[sflag:s22] =	ssyncadd.s32 $0xFFFFFE00  }
0x26: {  	v1 =	vld [tilespmem:s2+$0xFFFFFC00];
	_ =	sdelay $0x4  }
0x27: {  	v2 =	vshll.u32 v1, $0x4;
	_ =	sdelay $0x2  }
0x28: {  	v1 =	vmov s3  }
0x29: {  	v1 =	vshll.u32 v1, $0x7  }
0x2a: {  	v4 =	vor.u32 v0, v1;
	v3 =	vld.idx.msk [tilespmem:v2+s20+$0x0], $0xffff  }
0x2b: {  	v1 =	vor.u32 $0x1, v2;
	_ =	sdelay $0x2  }
0x2c: {  	v5 =	vld [tilespmem:s2+$0x0]  }
0x2d: {  	v6 =	vld [tilespmem:s2+$0xFFFFFE00];
	[tilespmem:v4+s23+$0x0] =	vst.idx.msk $0xffff, v3  }
0x2e: {  	v3 =	vor.u32 $0x1, v4;
	v1 =	vld.idx.msk [tilespmem:v1+s20+$0x0], $0xffff  }
0x2f: {  	v7 =	vor.u32 $0x2, v2;
	_ =	sdelay $0x3  }
0x30: {  	[tilespmem:v3+s23+$0x0] =	vst.idx.msk $0xffff, v1  }
0x31: {  	v36 =	vor.u32 $0x2, v4;
	v1 =	vld.idx.msk [tilespmem:v7+s20+$0x0], $0xffff  }
0x32: {  	v8 =	vor.u32 $0x3, v2;
	_ =	sdelay $0x3  }
0x33: {  	[tilespmem:v36+s23+$0x0] =	vst.idx.msk $0xffff, v1  }
0x34: {  	v37 =	vor.u32 $0x3, v4;
	v1 =	vld.idx.msk [tilespmem:v8+s20+$0x0], $0xffff  }
0x35: {  	v9 =	vor.u32 $0x4, v2;
	_ =	sdelay $0x3  }
0x36: {  	[tilespmem:v37+s23+$0x0] =	vst.idx.msk $0xffff, v1  }
0x37: {  	v38 =	vor.u32 $0x4, v4;
	v1 =	vld.idx.msk [tilespmem:v9+s20+$0x0], $0xffff  }
0x38: {  	v10 =	vor.u32 $0x5, v2;
	_ =	sdelay $0x3  }
0x39: {  	[tilespmem:v38+s23+$0x0] =	vst.idx.msk $0xffff, v1  }
0x3a: {  	v1 =	vor.u32 $0x5, v4;
	v10 =	vld.idx.msk [tilespmem:v10+s20+$0x0], $0xffff  }
0x3b: {  	v11 =	vor.u32 $0x6, v2;
	_ =	sdelay $0x3  }
0x3c: {  	[tilespmem:v1+s23+$0x0] =	vst.idx.msk $0xffff, v10  }
0x3d: {  	v39 =	vor.u32 $0x6, v4;
	v10 =	vld.idx.msk [tilespmem:v11+s20+$0x0], $0xffff  }
0x3e: {  	v12 =	vor.u32 $0x7, v2;
	_ =	sdelay $0x3  }
0x3f: {  	[tilespmem:v39+s23+$0x0] =	vst.idx.msk $0xffff, v10  }
0x40: {  	v40 =	vor.u32 $0x7, v4;
	v10 =	vld.idx.msk [tilespmem:v12+s20+$0x0], $0xffff  }
0x41: {  	v13 =	vor.u32 $0x8, v2;
	_ =	sdelay $0x3  }
0x42: {  	[tilespmem:v40+s23+$0x0] =	vst.idx.msk $0xffff, v10  }
0x43: {  	v41 =	vor.u32 $0x8, v4;
	v10 =	vld.idx.msk [tilespmem:v13+s20+$0x0], $0xffff  }
0x44: {  	v14 =	vor.u32 $0x9, v2;
	_ =	sdelay $0x3  }
0x45: {  	[tilespmem:v41+s23+$0x0] =	vst.idx.msk $0xffff, v10  }
0x46: {  	v42 =	vor.u32 $0x9, v4;
	v10 =	vld.idx.msk [tilespmem:v14+s20+$0x0], $0xffff  }
0x47: {  	v43 =	vor.u32 $0xA, v2;
	_ =	sdelay $0x3  }
0x48: {  	[tilespmem:v42+s23+$0x0] =	vst.idx.msk $0xffff, v10  }
0x49: {  	v44 =	vor.u32 $0xA, v4;
	v10 =	vld.idx.msk [tilespmem:v43+s20+$0x0], $0xffff  }
0x4a: {  	v45 =	vor.u32 $0xB, v2;
	_ =	sdelay $0x3  }
0x4b: {  	[tilespmem:v44+s23+$0x0] =	vst.idx.msk $0xffff, v10  }
0x4c: {  	v46 =	vor.u32 $0xB, v4;
	v10 =	vld.idx.msk [tilespmem:v45+s20+$0x0], $0xffff  }
0x4d: {  	v47 =	vor.u32 $0xC, v2;
	_ =	sdelay $0x3  }
0x4e: {  	[tilespmem:v46+s23+$0x0] =	vst.idx.msk $0xffff, v10  }
0x4f: {  	v48 =	vor.u32 $0xC, v4;
	v10 =	vld.idx.msk [tilespmem:v47+s20+$0x0], $0xffff  }
0x50: {  	v49 =	vor.u32 $0xD, v2;
	_ =	sdelay $0x3  }
0x51: {  	[tilespmem:v48+s23+$0x0] =	vst.idx.msk $0xffff, v10  }
0x52: {  	v50 =	vor.u32 $0xD, v4;
	v10 =	vld.idx.msk [tilespmem:v49+s20+$0x0], $0xffff  }
0x53: {  	v51 =	vor.u32 $0xE, v2;
	_ =	sdelay $0x3  }
0x54: {  	[tilespmem:v50+s23+$0x0] =	vst.idx.msk $0xffff, v10  }
0x55: {  	v52 =	vor.u32 $0xE, v4;
	v10 =	vld.idx.msk [tilespmem:v51+s20+$0x0], $0xffff  }
0x56: {  	v2 =	vor.u32 $0xF, v2;
	_ =	sdelay $0x3  }
0x57: {  	[tilespmem:v52+s23+$0x0] =	vst.idx.msk $0xffff, v10  }
0x58: {  	v6 =	vshll.u32 v6, $0x3;
	v53 =	vor.u32 $0xF, v4;
	v2 =	vld.idx.msk [tilespmem:v2+s20+$0x0], $0xffff  }
0x59: {  	v54 =	vadd.s32 $0x680, v6;
	_ =	sdelay $0x3  }
0x5a: {  	[tilespmem:v53+s23+$0x0] =	vst.idx.msk $0xffff, v2  }
0x5b: {  	v2 =	vld.idx.msk [tilespmem:v54+s20+$0x0], $0xffff  }
0x5c: {  	v55 =	vadd.s32 $0x681, v6;
	_ =	sdelay $0x3  }
0x5d: {  	[tilespmem:v4+s24+$0x0] =	vst.idx.msk $0xffff, v2  }
0x5e: {  	v2 =	vld.idx.msk [tilespmem:v55+s20+$0x0], $0xffff  }
0x5f: {  	v56 =	vadd.s32 $0x682, v6;
	_ =	sdelay $0x3  }
0x60: {  	[tilespmem:v3+s24+$0x0] =	vst.idx.msk $0xffff, v2  }
0x61: {  	v2 =	vld.idx.msk [tilespmem:v56+s20+$0x0], $0xffff  }
0x62: {  	v57 =	vadd.s32 $0x683, v6;
	_ =	sdelay $0x3  }
0x63: {  	[tilespmem:v36+s24+$0x0] =	vst.idx.msk $0xffff, v2  }
0x64: {  	v2 =	vld.idx.msk [tilespmem:v57+s20+$0x0], $0xffff  }
0x65: {  	v58 =	vadd.s32 $0x684, v6;
	_ =	sdelay $0x3  }
0x66: {  	[tilespmem:v37+s24+$0x0] =	vst.idx.msk $0xffff, v2  }
0x67: {  	v2 =	vld.idx.msk [tilespmem:v58+s20+$0x0], $0xffff  }
0x68: {  	v59 =	vadd.s32 $0x685, v6;
	_ =	sdelay $0x3  }
0x69: {  	[tilespmem:v38+s24+$0x0] =	vst.idx.msk $0xffff, v2  }
0x6a: {  	v2 =	vld.idx.msk [tilespmem:v59+s20+$0x0], $0xffff  }
0x6b: {  	v60 =	vadd.s32 $0x686, v6;
	_ =	sdelay $0x3  }
0x6c: {  	[tilespmem:v1+s24+$0x0] =	vst.idx.msk $0xffff, v2  }
0x6d: {  	v2 =	vld.idx.msk [tilespmem:v60+s20+$0x0], $0xffff  }
0x6e: {  	v6 =	vadd.s32 $0x687, v6;
	_ =	sdelay $0x3  }
0x6f: {  	v5 =	vmul.u32 $0x6, v5;
	[tilespmem:v39+s24+$0x0] =	vst.idx.msk $0xffff, v2  }
0x70: {  	v2 =	vld.idx.msk [tilespmem:v6+s20+$0x0], $0xffff  }
0x71: {  	v61 =	vadd.s32 $0x700, v5;
	_ =	sdelay $0x3  }
0x72: {  	[tilespmem:v40+s24+$0x0] =	vst.idx.msk $0xffff, v2  }
0x73: {  	v2 =	vld.idx.msk [tilespmem:v61+s20+$0x0], $0xffff  }
0x74: {  	v62 =	vadd.s32 $0x701, v5;
	_ =	sdelay $0x3  }
0x75: {  	[tilespmem:v4+s25+$0x0] =	vst.idx.msk $0xffff, v2  }
0x76: {  	v2 =	vld.idx.msk [tilespmem:v62+s20+$0x0], $0xffff  }
0x77: {  	v63 =	vadd.s32 $0x702, v5;
	_ =	sdelay $0x3  }
0x78: {  	[tilespmem:v3+s25+$0x0] =	vst.idx.msk $0xffff, v2  }
0x79: {  	v2 =	vld.idx.msk [tilespmem:v63+s20+$0x0], $0xffff  }
0x7a: {  	v3 =	vadd.s32 $0x703, v5;
	_ =	sdelay $0x3  }
0x7b: {  	[tilespmem:v36+s25+$0x0] =	vst.idx.msk $0xffff, v2  }
0x7c: {  	v2 =	vld.idx.msk [tilespmem:v3+s20+$0x0], $0xffff  }
0x7d: {  	v3 =	vadd.s32 $0x704, v5;
	_ =	sdelay $0x3  }
0x7e: {  	[tilespmem:v37+s25+$0x0] =	vst.idx.msk $0xffff, v2  }
0x7f: {  	v2 =	vld.idx.msk [tilespmem:v3+s20+$0x0], $0xffff  }
0x80: {  	v3 =	vadd.s32 $0x705, v5;
	_ =	sdelay $0x3  }
0x81: {  	[tilespmem:v38+s25+$0x0] =	vst.idx.msk $0xffff, v2  }
0x82: {  	s1 =	simm.s32 $0x10;
	v2 =	vld.idx.msk [tilespmem:v3+s20+$0x0], $0xffff  }
.LBB2_2:
0x83: {  	_ =	sdelay $0x2  }
0x84: {  	p0 =	sne.s32 s1, $0x70  }
0x85: {  	s2 =	sadd.s32 $0x10, s2;
	s21 =	smov.u32 s1;
	s1 =	sadd.s32 $0x10, s1;
	[tilespmem:v1+s25+$0x0] =	vst.idx.msk $0xffff, v2  }
0x86: {  	v1 =	vld [tilespmem:s2+$0xFFFFFC00];
	_ =	sdelay $0x4  }
0x87: {  	v11 =	vshll.u32 v1, $0x4;
	_ =	sdelay $0x3  }
0x88: {  	v1 =	vmov s21  }
0x89: {  	v1 =	vshll.u32 v1, $0x7;
	v2 =	vld.idx.msk [tilespmem:v11+s20+$0x0], $0xffff  }
0x8a: {  	v3 =	vor.u32 v0, v1  }
0x8b: {  	v1 =	vor.u32 $0x1, v11;
	_ =	sdelay $0x1  }
0x8c: {  	v5 =	vld [tilespmem:s2+$0x0]  }
0x8d: {  	v6 =	vld [tilespmem:s2+$0xFFFFFE00]  }
0x8e: {  	[tilespmem:v3+s23+$0x0] =	vst.idx.msk $0xffff, v2  }
0x8f: {  	v1 =	vld.idx.msk [tilespmem:v1+s20+$0x0], $0xffff  }
0x90: {  	v4 =	vor.u32 $0x1, v3  }
0x91: {  	v2 =	vmul.u32 $0x6, v5;
	v5 =	vor.u32 $0x2, v11  }
0x92: {  	v8 =	vshll.u32 v6, $0x3;
	_ =	sdelay $0x2  }
0x93: {  	[tilespmem:v4+s23+$0x0] =	vst.idx.msk $0xffff, v1  }
0x94: {  	v1 =	vld.idx.msk [tilespmem:v5+s20+$0x0], $0xffff  }
0x95: {  	v5 =	vor.u32 $0x2, v3  }
0x96: {  	v6 =	vor.u32 $0x3, v11;
	_ =	sdelay $0x3  }
0x97: {  	[tilespmem:v5+s23+$0x0] =	vst.idx.msk $0xffff, v1  }
0x98: {  	v1 =	vld.idx.msk [tilespmem:v6+s20+$0x0], $0xffff  }
0x99: {  	v6 =	vor.u32 $0x3, v3  }
0x9a: {  	v7 =	vor.u32 $0x4, v11;
	_ =	sdelay $0x3  }
0x9b: {  	[tilespmem:v6+s23+$0x0] =	vst.idx.msk $0xffff, v1  }
0x9c: {  	v1 =	vld.idx.msk [tilespmem:v7+s20+$0x0], $0xffff  }
0x9d: {  	v7 =	vor.u32 $0x4, v3  }
0x9e: {  	v9 =	vor.u32 $0x5, v11;
	_ =	sdelay $0x3  }
0x9f: {  	[tilespmem:v7+s23+$0x0] =	vst.idx.msk $0xffff, v1  }
0xa0: {  	v9 =	vld.idx.msk [tilespmem:v9+s20+$0x0], $0xffff  }
0xa1: {  	v1 =	vor.u32 $0x5, v3  }
0xa2: {  	v10 =	vor.u32 $0x6, v11;
	_ =	sdelay $0x3  }
0xa3: {  	[tilespmem:v1+s23+$0x0] =	vst.idx.msk $0xffff, v9  }
0xa4: {  	v10 =	vld.idx.msk [tilespmem:v10+s20+$0x0], $0xffff  }
0xa5: {  	v9 =	vor.u32 $0x6, v3  }
0xa6: {  	v12 =	vor.u32 $0x7, v11;
	_ =	sdelay $0x3  }
0xa7: {  	[tilespmem:v9+s23+$0x0] =	vst.idx.msk $0xffff, v10  }
0xa8: {  	v12 =	vld.idx.msk [tilespmem:v12+s20+$0x0], $0xffff  }
0xa9: {  	v10 =	vor.u32 $0x7, v3  }
0xaa: {  	v13 =	vor.u32 $0x8, v11;
	_ =	sdelay $0x3  }
0xab: {  	[tilespmem:v10+s23+$0x0] =	vst.idx.msk $0xffff, v12  }
0xac: {  	v12 =	vld.idx.msk [tilespmem:v13+s20+$0x0], $0xffff  }
0xad: {  	v13 =	vor.u32 $0x8, v3  }
0xae: {  	v14 =	vor.u32 $0x9, v11;
	_ =	sdelay $0x3  }
0xaf: {  	[tilespmem:v13+s23+$0x0] =	vst.idx.msk $0xffff, v12  }
0xb0: {  	v12 =	vld.idx.msk [tilespmem:v14+s20+$0x0], $0xffff  }
0xb1: {  	v13 =	vor.u32 $0x9, v3  }
0xb2: {  	v14 =	vor.u32 $0xA, v11;
	_ =	sdelay $0x3  }
0xb3: {  	[tilespmem:v13+s23+$0x0] =	vst.idx.msk $0xffff, v12  }
0xb4: {  	v12 =	vld.idx.msk [tilespmem:v14+s20+$0x0], $0xffff  }
0xb5: {  	v13 =	vor.u32 $0xA, v3  }
0xb6: {  	v14 =	vor.u32 $0xB, v11;
	_ =	sdelay $0x3  }
0xb7: {  	[tilespmem:v13+s23+$0x0] =	vst.idx.msk $0xffff, v12  }
0xb8: {  	v12 =	vld.idx.msk [tilespmem:v14+s20+$0x0], $0xffff  }
0xb9: {  	v13 =	vor.u32 $0xB, v3  }
0xba: {  	v14 =	vor.u32 $0xC, v11;
	_ =	sdelay $0x3  }
0xbb: {  	[tilespmem:v13+s23+$0x0] =	vst.idx.msk $0xffff, v12  }
0xbc: {  	v12 =	vld.idx.msk [tilespmem:v14+s20+$0x0], $0xffff  }
0xbd: {  	v13 =	vor.u32 $0xC, v3  }
0xbe: {  	v14 =	vor.u32 $0xD, v11;
	_ =	sdelay $0x3  }
0xbf: {  	[tilespmem:v13+s23+$0x0] =	vst.idx.msk $0xffff, v12  }
0xc0: {  	v12 =	vld.idx.msk [tilespmem:v14+s20+$0x0], $0xffff  }
0xc1: {  	v13 =	vor.u32 $0xD, v3  }
0xc2: {  	v14 =	vor.u32 $0xE, v11;
	_ =	sdelay $0x3  }
0xc3: {  	[tilespmem:v13+s23+$0x0] =	vst.idx.msk $0xffff, v12  }
0xc4: {  	v12 =	vld.idx.msk [tilespmem:v14+s20+$0x0], $0xffff  }
0xc5: {  	v13 =	vor.u32 $0xE, v3  }
0xc6: {  	v11 =	vor.u32 $0xF, v11;
	_ =	sdelay $0x3  }
0xc7: {  	[tilespmem:v13+s23+$0x0] =	vst.idx.msk $0xffff, v12  }
0xc8: {  	v11 =	vld.idx.msk [tilespmem:v11+s20+$0x0], $0xffff  }
0xc9: {  	v12 =	vor.u32 $0xF, v3  }
0xca: {  	v13 =	vadd.s32 $0x680, v8;
	_ =	sdelay $0x3  }
0xcb: {  	[tilespmem:v12+s23+$0x0] =	vst.idx.msk $0xffff, v11  }
0xcc: {  	v11 =	vld.idx.msk [tilespmem:v13+s20+$0x0], $0xffff;
	_ =	sdelay $0x1  }
0xcd: {  	v12 =	vadd.s32 $0x681, v8;
	_ =	sdelay $0x3  }
0xce: {  	[tilespmem:v3+s24+$0x0] =	vst.idx.msk $0xffff, v11  }
0xcf: {  	v11 =	vld.idx.msk [tilespmem:v12+s20+$0x0], $0xffff;
	_ =	sdelay $0x1  }
0xd0: {  	v12 =	vadd.s32 $0x682, v8;
	_ =	sdelay $0x3  }
0xd1: {  	[tilespmem:v4+s24+$0x0] =	vst.idx.msk $0xffff, v11  }
0xd2: {  	v11 =	vld.idx.msk [tilespmem:v12+s20+$0x0], $0xffff;
	_ =	sdelay $0x1  }
0xd3: {  	v12 =	vadd.s32 $0x683, v8;
	_ =	sdelay $0x3  }
0xd4: {  	[tilespmem:v5+s24+$0x0] =	vst.idx.msk $0xffff, v11  }
0xd5: {  	v11 =	vld.idx.msk [tilespmem:v12+s20+$0x0], $0xffff;
	_ =	sdelay $0x1  }
0xd6: {  	v12 =	vadd.s32 $0x684, v8;
	_ =	sdelay $0x3  }
0xd7: {  	[tilespmem:v6+s24+$0x0] =	vst.idx.msk $0xffff, v11  }
0xd8: {  	v11 =	vld.idx.msk [tilespmem:v12+s20+$0x0], $0xffff;
	_ =	sdelay $0x1  }
0xd9: {  	v12 =	vadd.s32 $0x685, v8;
	_ =	sdelay $0x3  }
0xda: {  	[tilespmem:v7+s24+$0x0] =	vst.idx.msk $0xffff, v11  }
0xdb: {  	v11 =	vld.idx.msk [tilespmem:v12+s20+$0x0], $0xffff;
	_ =	sdelay $0x1  }
0xdc: {  	v12 =	vadd.s32 $0x686, v8;
	_ =	sdelay $0x3  }
0xdd: {  	[tilespmem:v1+s24+$0x0] =	vst.idx.msk $0xffff, v11  }
0xde: {  	v11 =	vld.idx.msk [tilespmem:v12+s20+$0x0], $0xffff;
	_ =	sdelay $0x1  }
0xdf: {  	v8 =	vadd.s32 $0x687, v8;
	_ =	sdelay $0x3  }
0xe0: {  	[tilespmem:v9+s24+$0x0] =	vst.idx.msk $0xffff, v11  }
0xe1: {  	v8 =	vld.idx.msk [tilespmem:v8+s20+$0x0], $0xffff;
	_ =	sdelay $0x1  }
0xe2: {  	v9 =	vadd.s32 $0x700, v2;
	_ =	sdelay $0x3  }
0xe3: {  	[tilespmem:v10+s24+$0x0] =	vst.idx.msk $0xffff, v8  }
0xe4: {  	v8 =	vld.idx.msk [tilespmem:v9+s20+$0x0], $0xffff;
	_ =	sdelay $0x1  }
0xe5: {  	v9 =	vadd.s32 $0x701, v2;
	_ =	sdelay $0x3  }
0xe6: {  	[tilespmem:v3+s25+$0x0] =	vst.idx.msk $0xffff, v8  }
0xe7: {  	v3 =	vld.idx.msk [tilespmem:v9+s20+$0x0], $0xffff;
	_ =	sdelay $0x1  }
0xe8: {  	v8 =	vadd.s32 $0x702, v2;
	_ =	sdelay $0x3  }
0xe9: {  	[tilespmem:v4+s25+$0x0] =	vst.idx.msk $0xffff, v3  }
0xea: {  	v3 =	vld.idx.msk [tilespmem:v8+s20+$0x0], $0xffff;
	_ =	sdelay $0x1  }
0xeb: {  	v4 =	vadd.s32 $0x703, v2;
	_ =	sdelay $0x3  }
0xec: {  	[tilespmem:v5+s25+$0x0] =	vst.idx.msk $0xffff, v3  }
0xed: {  	v3 =	vld.idx.msk [tilespmem:v4+s20+$0x0], $0xffff;
	_ =	sdelay $0x1  }
0xee: {  	v4 =	vadd.s32 $0x704, v2;
	_ =	sdelay $0x3  }
0xef: {  	[tilespmem:v6+s25+$0x0] =	vst.idx.msk $0xffff, v3  }
0xf0: {  	v3 =	vld.idx.msk [tilespmem:v4+s20+$0x0], $0xffff;
	_ =	sdelay $0x1  }
0xf1: {  	v2 =	vadd.s32 $0x705, v2  }
.Ltmp0:
0xf2: {  	(pc) =	sbr.rel @p0 .LBB2_2-.Ltmp0, $3  }
0xf3: {  	_ =	sdelay $0x1  }
0xf4: {  	[tilespmem:v7+s25+$0x0] =	vst.idx.msk $0xffff, v3  }
0xf5: {  	v2 =	vld.idx.msk [tilespmem:v2+s20+$0x0], $0xffff  }
0xf6: {  	_ =	sdelay $0x3  }
0xf7: {  	s1 =	simm.s32 $0x0;
	[tilespmem:v1+s25+$0x0] =	vst.idx.msk $0xffff, v2  }
0xf8: {  	[hbm4b:s7+s1] =	stream.linear.scatter [tilespmem:s23], [sflag:$0x2], $0x4000, $0x38;
	[tilespmem:$0x18E80] =	vst v63  }
0xf9: {  	_ = 	snop  }
0xfa: {  	[hbm4b:s8+s1] =	stream.linear.scatter [tilespmem:s24], [sflag:$0x2], $0x4000, $0x38;
	[tilespmem:$0x18E80] =	vst v63  }
0xfb: {  	s2 =	simm.s32 $0x480  }
0xfc: {  	[hbm4b:s9+s1] =	stream.linear.scatter [tilespmem:s25], [sflag:$0x2], $0x4000, $0x38;
	[tilespmem:$0x18E80] =	vst v63  }
0xfd: {  	v1 =	vld [tilespmem:s2+$0xFFFFFC00];
	_ =	sdelay $0x4  }
0xfe: {  	v2 =	vshll.u32 v1, $0x4;
	_ =	sdelay $0x2  }
0xff: {  	v1 =	vmov s1  }
0x100: {  	v1 =	vshll.u32 v1, $0x7  }
0x101: {  	v4 =	vor.u32 v0, v1;
	v3 =	vld.idx.msk [tilespmem:v2+s20+$0x0], $0xffff  }
0x102: {  	v1 =	vor.u32 $0x1, v2;
	_ =	sdelay $0x2  }
0x103: {  	v5 =	vld [tilespmem:s2+$0x0]  }
0x104: {  	v6 =	vld [tilespmem:s2+$0xFFFFFE00];
	[tilespmem:v4+s26+$0x0] =	vst.idx.msk $0xffff, v3  }
0x105: {  	v3 =	vor.u32 $0x1, v4;
	v1 =	vld.idx.msk [tilespmem:v1+s20+$0x0], $0xffff  }
0x106: {  	v7 =	vor.u32 $0x2, v2;
	_ =	sdelay $0x3  }
0x107: {  	[tilespmem:v3+s26+$0x0] =	vst.idx.msk $0xffff, v1  }
0x108: {  	v36 =	vor.u32 $0x2, v4;
	v1 =	vld.idx.msk [tilespmem:v7+s20+$0x0], $0xffff  }
0x109: {  	v8 =	vor.u32 $0x3, v2;
	_ =	sdelay $0x3  }
0x10a: {  	[tilespmem:v36+s26+$0x0] =	vst.idx.msk $0xffff, v1  }
0x10b: {  	v37 =	vor.u32 $0x3, v4;
	v1 =	vld.idx.msk [tilespmem:v8+s20+$0x0], $0xffff  }
0x10c: {  	v9 =	vor.u32 $0x4, v2;
	_ =	sdelay $0x3  }
0x10d: {  	[tilespmem:v37+s26+$0x0] =	vst.idx.msk $0xffff, v1  }
0x10e: {  	v38 =	vor.u32 $0x4, v4;
	v1 =	vld.idx.msk [tilespmem:v9+s20+$0x0], $0xffff  }
0x10f: {  	v10 =	vor.u32 $0x5, v2;
	_ =	sdelay $0x3  }
0x110: {  	[tilespmem:v38+s26+$0x0] =	vst.idx.msk $0xffff, v1  }
0x111: {  	v1 =	vor.u32 $0x5, v4;
	v10 =	vld.idx.msk [tilespmem:v10+s20+$0x0], $0xffff  }
0x112: {  	v11 =	vor.u32 $0x6, v2;
	_ =	sdelay $0x3  }
0x113: {  	[tilespmem:v1+s26+$0x0] =	vst.idx.msk $0xffff, v10  }
0x114: {  	v39 =	vor.u32 $0x6, v4;
	v10 =	vld.idx.msk [tilespmem:v11+s20+$0x0], $0xffff  }
0x115: {  	v12 =	vor.u32 $0x7, v2;
	_ =	sdelay $0x3  }
0x116: {  	[tilespmem:v39+s26+$0x0] =	vst.idx.msk $0xffff, v10  }
0x117: {  	v40 =	vor.u32 $0x7, v4;
	v10 =	vld.idx.msk [tilespmem:v12+s20+$0x0], $0xffff  }
0x118: {  	v13 =	vor.u32 $0x8, v2;
	_ =	sdelay $0x3  }
0x119: {  	[tilespmem:v40+s26+$0x0] =	vst.idx.msk $0xffff, v10  }
0x11a: {  	v41 =	vor.u32 $0x8, v4;
	v10 =	vld.idx.msk [tilespmem:v13+s20+$0x0], $0xffff  }
0x11b: {  	v14 =	vor.u32 $0x9, v2;
	_ =	sdelay $0x3  }
0x11c: {  	[tilespmem:v41+s26+$0x0] =	vst.idx.msk $0xffff, v10  }
0x11d: {  	v42 =	vor.u32 $0x9, v4;
	v10 =	vld.idx.msk [tilespmem:v14+s20+$0x0], $0xffff  }
0x11e: {  	v43 =	vor.u32 $0xA, v2;
	_ =	sdelay $0x3  }
0x11f: {  	[tilespmem:v42+s26+$0x0] =	vst.idx.msk $0xffff, v10  }
0x120: {  	v44 =	vor.u32 $0xA, v4;
	v10 =	vld.idx.msk [tilespmem:v43+s20+$0x0], $0xffff  }
0x121: {  	v45 =	vor.u32 $0xB, v2;
	_ =	sdelay $0x3  }
0x122: {  	[tilespmem:v44+s26+$0x0] =	vst.idx.msk $0xffff, v10  }
0x123: {  	v46 =	vor.u32 $0xB, v4;
	v10 =	vld.idx.msk [tilespmem:v45+s20+$0x0], $0xffff  }
0x124: {  	v47 =	vor.u32 $0xC, v2;
	_ =	sdelay $0x3  }
0x125: {  	[tilespmem:v46+s26+$0x0] =	vst.idx.msk $0xffff, v10  }
0x126: {  	v48 =	vor.u32 $0xC, v4;
	v10 =	vld.idx.msk [tilespmem:v47+s20+$0x0], $0xffff  }
0x127: {  	v49 =	vor.u32 $0xD, v2;
	_ =	sdelay $0x3  }
0x128: {  	[tilespmem:v48+s26+$0x0] =	vst.idx.msk $0xffff, v10  }
0x129: {  	v50 =	vor.u32 $0xD, v4;
	v10 =	vld.idx.msk [tilespmem:v49+s20+$0x0], $0xffff  }
0x12a: {  	v51 =	vor.u32 $0xE, v2;
	_ =	sdelay $0x3  }
0x12b: {  	[tilespmem:v50+s26+$0x0] =	vst.idx.msk $0xffff, v10  }
0x12c: {  	v52 =	vor.u32 $0xE, v4;
	v10 =	vld.idx.msk [tilespmem:v51+s20+$0x0], $0xffff  }
0x12d: {  	v2 =	vor.u32 $0xF, v2;
	_ =	sdelay $0x3  }
0x12e: {  	[tilespmem:v52+s26+$0x0] =	vst.idx.msk $0xffff, v10  }
0x12f: {  	v6 =	vshll.u32 v6, $0x3;
	v53 =	vor.u32 $0xF, v4;
	v2 =	vld.idx.msk [tilespmem:v2+s20+$0x0], $0xffff  }
0x130: {  	v54 =	vadd.s32 $0x680, v6;
	_ =	sdelay $0x3  }
0x131: {  	[tilespmem:v53+s26+$0x0] =	vst.idx.msk $0xffff, v2  }
0x132: {  	v2 =	vld.idx.msk [tilespmem:v54+s20+$0x0], $0xffff  }
0x133: {  	v55 =	vadd.s32 $0x681, v6;
	_ =	sdelay $0x3  }
0x134: {  	[tilespmem:v4+s28+$0x0] =	vst.idx.msk $0xffff, v2  }
0x135: {  	v2 =	vld.idx.msk [tilespmem:v55+s20+$0x0], $0xffff  }
0x136: {  	v56 =	vadd.s32 $0x682, v6;
	_ =	sdelay $0x3  }
0x137: {  	[tilespmem:v3+s28+$0x0] =	vst.idx.msk $0xffff, v2  }
0x138: {  	v2 =	vld.idx.msk [tilespmem:v56+s20+$0x0], $0xffff  }
0x139: {  	v57 =	vadd.s32 $0x683, v6;
	_ =	sdelay $0x3  }
0x13a: {  	[tilespmem:v36+s28+$0x0] =	vst.idx.msk $0xffff, v2  }
0x13b: {  	v2 =	vld.idx.msk [tilespmem:v57+s20+$0x0], $0xffff  }
0x13c: {  	v58 =	vadd.s32 $0x684, v6;
	_ =	sdelay $0x3  }
0x13d: {  	[tilespmem:v37+s28+$0x0] =	vst.idx.msk $0xffff, v2  }
0x13e: {  	v2 =	vld.idx.msk [tilespmem:v58+s20+$0x0], $0xffff  }
0x13f: {  	v59 =	vadd.s32 $0x685, v6;
	_ =	sdelay $0x3  }
0x140: {  	[tilespmem:v38+s28+$0x0] =	vst.idx.msk $0xffff, v2  }
0x141: {  	v2 =	vld.idx.msk [tilespmem:v59+s20+$0x0], $0xffff  }
0x142: {  	v60 =	vadd.s32 $0x686, v6;
	_ =	sdelay $0x3  }
0x143: {  	[tilespmem:v1+s28+$0x0] =	vst.idx.msk $0xffff, v2  }
0x144: {  	v2 =	vld.idx.msk [tilespmem:v60+s20+$0x0], $0xffff  }
0x145: {  	v6 =	vadd.s32 $0x687, v6;
	_ =	sdelay $0x3  }
0x146: {  	v5 =	vmul.u32 $0x6, v5;
	[tilespmem:v39+s28+$0x0] =	vst.idx.msk $0xffff, v2  }
0x147: {  	v2 =	vld.idx.msk [tilespmem:v6+s20+$0x0], $0xffff  }
0x148: {  	v61 =	vadd.s32 $0x700, v5;
	_ =	sdelay $0x3  }
0x149: {  	[tilespmem:v40+s28+$0x0] =	vst.idx.msk $0xffff, v2  }
0x14a: {  	v2 =	vld.idx.msk [tilespmem:v61+s20+$0x0], $0xffff  }
0x14b: {  	v62 =	vadd.s32 $0x701, v5;
	_ =	sdelay $0x3  }
0x14c: {  	[tilespmem:v4+s29+$0x0] =	vst.idx.msk $0xffff, v2  }
0x14d: {  	v2 =	vld.idx.msk [tilespmem:v62+s20+$0x0], $0xffff  }
0x14e: {  	v63 =	vadd.s32 $0x702, v5;
	_ =	sdelay $0x3  }
0x14f: {  	[tilespmem:v3+s29+$0x0] =	vst.idx.msk $0xffff, v2  }
0x150: {  	v2 =	vld.idx.msk [tilespmem:v63+s20+$0x0], $0xffff  }
0x151: {  	v3 =	vadd.s32 $0x703, v5;
	_ =	sdelay $0x3  }
0x152: {  	[tilespmem:v36+s29+$0x0] =	vst.idx.msk $0xffff, v2  }
0x153: {  	v2 =	vld.idx.msk [tilespmem:v3+s20+$0x0], $0xffff  }
0x154: {  	v3 =	vadd.s32 $0x704, v5;
	_ =	sdelay $0x3  }
0x155: {  	[tilespmem:v37+s29+$0x0] =	vst.idx.msk $0xffff, v2  }
0x156: {  	v2 =	vld.idx.msk [tilespmem:v3+s20+$0x0], $0xffff  }
0x157: {  	v3 =	vadd.s32 $0x705, v5;
	_ =	sdelay $0x3  }
0x158: {  	[tilespmem:v38+s29+$0x0] =	vst.idx.msk $0xffff, v2  }
0x159: {  	s1 =	simm.s32 $0x10;
	v2 =	vld.idx.msk [tilespmem:v3+s20+$0x0], $0xffff  }
.LBB2_4:
0x15a: {  	_ =	sdelay $0x2  }
0x15b: {  	p0 =	sne.s32 s1, $0x70  }
0x15c: {  	s2 =	sadd.s32 $0x10, s2;
	s21 =	smov.u32 s1;
	s1 =	sadd.s32 $0x10, s1;
	[tilespmem:v1+s29+$0x0] =	vst.idx.msk $0xffff, v2  }
0x15d: {  	v1 =	vld [tilespmem:s2+$0xFFFFFC00];
	_ =	sdelay $0x4  }
0x15e: {  	v11 =	vshll.u32 v1, $0x4;
	_ =	sdelay $0x3  }
0x15f: {  	v1 =	vmov s21  }
0x160: {  	v1 =	vshll.u32 v1, $0x7;
	v2 =	vld.idx.msk [tilespmem:v11+s20+$0x0], $0xffff  }
0x161: {  	v3 =	vor.u32 v0, v1  }
0x162: {  	v1 =	vor.u32 $0x1, v11;
	_ =	sdelay $0x1  }
0x163: {  	v5 =	vld [tilespmem:s2+$0x0]  }
0x164: {  	v6 =	vld [tilespmem:s2+$0xFFFFFE00]  }
0x165: {  	[tilespmem:v3+s26+$0x0] =	vst.idx.msk $0xffff, v2  }
0x166: {  	v1 =	vld.idx.msk [tilespmem:v1+s20+$0x0], $0xffff  }
0x167: {  	v4 =	vor.u32 $0x1, v3  }
0x168: {  	v2 =	vmul.u32 $0x6, v5;
	v5 =	vor.u32 $0x2, v11  }
0x169: {  	v8 =	vshll.u32 v6, $0x3;
	_ =	sdelay $0x2  }
0x16a: {  	[tilespmem:v4+s26+$0x0] =	vst.idx.msk $0xffff, v1  }
0x16b: {  	v1 =	vld.idx.msk [tilespmem:v5+s20+$0x0], $0xffff  }
0x16c: {  	v5 =	vor.u32 $0x2, v3  }
0x16d: {  	v6 =	vor.u32 $0x3, v11;
	_ =	sdelay $0x3  }
0x16e: {  	[tilespmem:v5+s26+$0x0] =	vst.idx.msk $0xffff, v1  }
0x16f: {  	v1 =	vld.idx.msk [tilespmem:v6+s20+$0x0], $0xffff  }
0x170: {  	v6 =	vor.u32 $0x3, v3  }
0x171: {  	v7 =	vor.u32 $0x4, v11;
	_ =	sdelay $0x3  }
0x172: {  	[tilespmem:v6+s26+$0x0] =	vst.idx.msk $0xffff, v1  }
0x173: {  	v1 =	vld.idx.msk [tilespmem:v7+s20+$0x0], $0xffff  }
0x174: {  	v7 =	vor.u32 $0x4, v3  }
0x175: {  	v9 =	vor.u32 $0x5, v11;
	_ =	sdelay $0x3  }
0x176: {  	[tilespmem:v7+s26+$0x0] =	vst.idx.msk $0xffff, v1  }
0x177: {  	v9 =	vld.idx.msk [tilespmem:v9+s20+$0x0], $0xffff  }
0x178: {  	v1 =	vor.u32 $0x5, v3  }
0x179: {  	v10 =	vor.u32 $0x6, v11;
	_ =	sdelay $0x3  }
0x17a: {  	[tilespmem:v1+s26+$0x0] =	vst.idx.msk $0xffff, v9  }
0x17b: {  	v10 =	vld.idx.msk [tilespmem:v10+s20+$0x0], $0xffff  }
0x17c: {  	v9 =	vor.u32 $0x6, v3  }
0x17d: {  	v12 =	vor.u32 $0x7, v11;
	_ =	sdelay $0x3  }
0x17e: {  	[tilespmem:v9+s26+$0x0] =	vst.idx.msk $0xffff, v10  }
0x17f: {  	v12 =	vld.idx.msk [tilespmem:v12+s20+$0x0], $0xffff  }
0x180: {  	v10 =	vor.u32 $0x7, v3  }
0x181: {  	v13 =	vor.u32 $0x8, v11;
	_ =	sdelay $0x3  }
0x182: {  	[tilespmem:v10+s26+$0x0] =	vst.idx.msk $0xffff, v12  }
0x183: {  	v12 =	vld.idx.msk [tilespmem:v13+s20+$0x0], $0xffff  }
0x184: {  	v13 =	vor.u32 $0x8, v3  }
0x185: {  	v14 =	vor.u32 $0x9, v11;
	_ =	sdelay $0x3  }
0x186: {  	[tilespmem:v13+s26+$0x0] =	vst.idx.msk $0xffff, v12  }
0x187: {  	v12 =	vld.idx.msk [tilespmem:v14+s20+$0x0], $0xffff  }
0x188: {  	v13 =	vor.u32 $0x9, v3  }
0x189: {  	v14 =	vor.u32 $0xA, v11;
	_ =	sdelay $0x3  }
0x18a: {  	[tilespmem:v13+s26+$0x0] =	vst.idx.msk $0xffff, v12  }
0x18b: {  	v12 =	vld.idx.msk [tilespmem:v14+s20+$0x0], $0xffff  }
0x18c: {  	v13 =	vor.u32 $0xA, v3  }
0x18d: {  	v14 =	vor.u32 $0xB, v11;
	_ =	sdelay $0x3  }
0x18e: {  	[tilespmem:v13+s26+$0x0] =	vst.idx.msk $0xffff, v12  }
0x18f: {  	v12 =	vld.idx.msk [tilespmem:v14+s20+$0x0], $0xffff  }
0x190: {  	v13 =	vor.u32 $0xB, v3  }
0x191: {  	v14 =	vor.u32 $0xC, v11;
	_ =	sdelay $0x3  }
0x192: {  	[tilespmem:v13+s26+$0x0] =	vst.idx.msk $0xffff, v12  }
0x193: {  	v12 =	vld.idx.msk [tilespmem:v14+s20+$0x0], $0xffff  }
0x194: {  	v13 =	vor.u32 $0xC, v3  }
0x195: {  	v14 =	vor.u32 $0xD, v11;
	_ =	sdelay $0x3  }
0x196: {  	[tilespmem:v13+s26+$0x0] =	vst.idx.msk $0xffff, v12  }
0x197: {  	v12 =	vld.idx.msk [tilespmem:v14+s20+$0x0], $0xffff  }
0x198: {  	v13 =	vor.u32 $0xD, v3  }
0x199: {  	v14 =	vor.u32 $0xE, v11;
	_ =	sdelay $0x3  }
0x19a: {  	[tilespmem:v13+s26+$0x0] =	vst.idx.msk $0xffff, v12  }
0x19b: {  	v12 =	vld.idx.msk [tilespmem:v14+s20+$0x0], $0xffff  }
0x19c: {  	v13 =	vor.u32 $0xE, v3  }
0x19d: {  	v11 =	vor.u32 $0xF, v11;
	_ =	sdelay $0x3  }
0x19e: {  	[tilespmem:v13+s26+$0x0] =	vst.idx.msk $0xffff, v12  }
0x19f: {  	v11 =	vld.idx.msk [tilespmem:v11+s20+$0x0], $0xffff  }
0x1a0: {  	v12 =	vor.u32 $0xF, v3  }
0x1a1: {  	v13 =	vadd.s32 $0x680, v8;
	_ =	sdelay $0x3  }
0x1a2: {  	[tilespmem:v12+s26+$0x0] =	vst.idx.msk $0xffff, v11  }
0x1a3: {  	v11 =	vld.idx.msk [tilespmem:v13+s20+$0x0], $0xffff;
	_ =	sdelay $0x1  }
0x1a4: {  	v12 =	vadd.s32 $0x681, v8;
	_ =	sdelay $0x3  }
0x1a5: {  	[tilespmem:v3+s28+$0x0] =	vst.idx.msk $0xffff, v11  }
0x1a6: {  	v11 =	vld.idx.msk [tilespmem:v12+s20+$0x0], $0xffff;
	_ =	sdelay $0x1  }
0x1a7: {  	v12 =	vadd.s32 $0x682, v8;
	_ =	sdelay $0x3  }
0x1a8: {  	[tilespmem:v4+s28+$0x0] =	vst.idx.msk $0xffff, v11  }
0x1a9: {  	v11 =	vld.idx.msk [tilespmem:v12+s20+$0x0], $0xffff;
	_ =	sdelay $0x1  }
0x1aa: {  	v12 =	vadd.s32 $0x683, v8;
	_ =	sdelay $0x3  }
0x1ab: {  	[tilespmem:v5+s28+$0x0] =	vst.idx.msk $0xffff, v11  }
0x1ac: {  	v11 =	vld.idx.msk [tilespmem:v12+s20+$0x0], $0xffff;
	_ =	sdelay $0x1  }
0x1ad: {  	v12 =	vadd.s32 $0x684, v8;
	_ =	sdelay $0x3  }
0x1ae: {  	[tilespmem:v6+s28+$0x0] =	vst.idx.msk $0xffff, v11  }
0x1af: {  	v11 =	vld.idx.msk [tilespmem:v12+s20+$0x0], $0xffff;
	_ =	sdelay $0x1  }
0x1b0: {  	v12 =	vadd.s32 $0x685, v8;
	_ =	sdelay $0x3  }
0x1b1: {  	[tilespmem:v7+s28+$0x0] =	vst.idx.msk $0xffff, v11  }
0x1b2: {  	v11 =	vld.idx.msk [tilespmem:v12+s20+$0x0], $0xffff;
	_ =	sdelay $0x1  }
0x1b3: {  	v12 =	vadd.s32 $0x686, v8;
	_ =	sdelay $0x3  }
0x1b4: {  	[tilespmem:v1+s28+$0x0] =	vst.idx.msk $0xffff, v11  }
0x1b5: {  	v11 =	vld.idx.msk [tilespmem:v12+s20+$0x0], $0xffff;
	_ =	sdelay $0x1  }
0x1b6: {  	v8 =	vadd.s32 $0x687, v8;
	_ =	sdelay $0x3  }
0x1b7: {  	[tilespmem:v9+s28+$0x0] =	vst.idx.msk $0xffff, v11  }
0x1b8: {  	v8 =	vld.idx.msk [tilespmem:v8+s20+$0x0], $0xffff;
	_ =	sdelay $0x1  }
0x1b9: {  	v9 =	vadd.s32 $0x700, v2;
	_ =	sdelay $0x3  }
0x1ba: {  	[tilespmem:v10+s28+$0x0] =	vst.idx.msk $0xffff, v8  }
0x1bb: {  	v8 =	vld.idx.msk [tilespmem:v9+s20+$0x0], $0xffff;
	_ =	sdelay $0x1  }
0x1bc: {  	v9 =	vadd.s32 $0x701, v2;
	_ =	sdelay $0x3  }
0x1bd: {  	[tilespmem:v3+s29+$0x0] =	vst.idx.msk $0xffff, v8  }
0x1be: {  	v3 =	vld.idx.msk [tilespmem:v9+s20+$0x0], $0xffff;
	_ =	sdelay $0x1  }
0x1bf: {  	v8 =	vadd.s32 $0x702, v2;
	_ =	sdelay $0x3  }
0x1c0: {  	[tilespmem:v4+s29+$0x0] =	vst.idx.msk $0xffff, v3  }
0x1c1: {  	v3 =	vld.idx.msk [tilespmem:v8+s20+$0x0], $0xffff;
	_ =	sdelay $0x1  }
0x1c2: {  	v4 =	vadd.s32 $0x703, v2;
	_ =	sdelay $0x3  }
0x1c3: {  	[tilespmem:v5+s29+$0x0] =	vst.idx.msk $0xffff, v3  }
0x1c4: {  	v3 =	vld.idx.msk [tilespmem:v4+s20+$0x0], $0xffff;
	_ =	sdelay $0x1  }
0x1c5: {  	v4 =	vadd.s32 $0x704, v2;
	_ =	sdelay $0x3  }
0x1c6: {  	[tilespmem:v6+s29+$0x0] =	vst.idx.msk $0xffff, v3  }
0x1c7: {  	v3 =	vld.idx.msk [tilespmem:v4+s20+$0x0], $0xffff;
	_ =	sdelay $0x1  }
0x1c8: {  	v2 =	vadd.s32 $0x705, v2  }
.Ltmp1:
0x1c9: {  	(pc) =	sbr.rel @p0 .LBB2_4-.Ltmp1, $3  }
0x1ca: {  	_ =	sdelay $0x1  }
0x1cb: {  	[tilespmem:v7+s29+$0x0] =	vst.idx.msk $0xffff, v3  }
0x1cc: {  	v2 =	vld.idx.msk [tilespmem:v2+s20+$0x0], $0xffff  }
0x1cd: {  	_ =	sdelay $0x3  }
0x1ce: {  	s1 =	simm.s32 $0x0;
	[tilespmem:v1+s29+$0x0] =	vst.idx.msk $0xffff, v2  }
0x1cf: {  	[hbm4b:s10+s1] =	stream.linear.scatter [tilespmem:s26], [sflag:$0x3], $0x4000, $0x38;
	[tilespmem:$0x18E80] =	vst v63  }
0x1d0: {  	_ = 	snop  }
0x1d1: {  	[hbm4b:s11+s1] =	stream.linear.scatter [tilespmem:s28], [sflag:$0x3], $0x4000, $0x38;
	[tilespmem:$0x18E80] =	vst v63  }
0x1d2: {  	_ = 	snop  }
0x1d3: {  	[hbm4b:s12+s1] =	stream.linear.scatter [tilespmem:s29], [sflag:$0x3], $0x4000, $0x38;
	[tilespmem:$0x18E80] =	vst v63  }
0x1d4: {  	_ =	swait.ge [sflag:s30], $0x4000  }
0x1d5: {  	[sflag:s30] =	ssyncset.done $0x0  }
0x1d6: {  	[sflag:s30] =	ssyncadd.s32 $0xFFFFC000  }
0x1d7: {  	_ =	swait.ge [sflag:s30], $0x4000  }
0x1d8: {  	[sflag:s30] =	ssyncset.done $0x0  }
0x1d9: {  	[sflag:s30] =	ssyncadd.s32 $0xFFFFC000  }
0x1da: {  	_ =	swait.ge [sflag:s30], $0x4000  }
0x1db: {  	[sflag:s30] =	ssyncset.done $0x0  }
0x1dc: {  	s2 =	simm.s32 $0x500;
	[sflag:s30] =	ssyncadd.s32 $0xFFFFC000  }
0x1dd: {  	v1 =	vld [tilespmem:s2+$0xFFFFFC00];
	_ =	sdelay $0x4  }
0x1de: {  	v2 =	vshll.u32 v1, $0x4;
	_ =	sdelay $0x2  }
0x1df: {  	v1 =	vmov s1  }
0x1e0: {  	v1 =	vshll.u32 v1, $0x7  }
0x1e1: {  	v4 =	vor.u32 v0, v1;
	v3 =	vld.idx.msk [tilespmem:v2+s20+$0x0], $0xffff  }
0x1e2: {  	v1 =	vor.u32 $0x1, v2;
	_ =	sdelay $0x2  }
0x1e3: {  	v5 =	vld [tilespmem:s2+$0x0]  }
0x1e4: {  	v6 =	vld [tilespmem:s2+$0xFFFFFE00];
	[tilespmem:v4+s23+$0x0] =	vst.idx.msk $0xffff, v3  }
0x1e5: {  	v3 =	vor.u32 $0x1, v4;
	v1 =	vld.idx.msk [tilespmem:v1+s20+$0x0], $0xffff  }
0x1e6: {  	v7 =	vor.u32 $0x2, v2;
	_ =	sdelay $0x3  }
0x1e7: {  	[tilespmem:v3+s23+$0x0] =	vst.idx.msk $0xffff, v1  }
0x1e8: {  	v36 =	vor.u32 $0x2, v4;
	v1 =	vld.idx.msk [tilespmem:v7+s20+$0x0], $0xffff  }
0x1e9: {  	v8 =	vor.u32 $0x3, v2;
	_ =	sdelay $0x3  }
0x1ea: {  	[tilespmem:v36+s23+$0x0] =	vst.idx.msk $0xffff, v1  }
0x1eb: {  	v37 =	vor.u32 $0x3, v4;
	v1 =	vld.idx.msk [tilespmem:v8+s20+$0x0], $0xffff  }
0x1ec: {  	v9 =	vor.u32 $0x4, v2;
	_ =	sdelay $0x3  }
0x1ed: {  	[tilespmem:v37+s23+$0x0] =	vst.idx.msk $0xffff, v1  }
0x1ee: {  	v38 =	vor.u32 $0x4, v4;
	v1 =	vld.idx.msk [tilespmem:v9+s20+$0x0], $0xffff  }
0x1ef: {  	v10 =	vor.u32 $0x5, v2;
	_ =	sdelay $0x3  }
0x1f0: {  	[tilespmem:v38+s23+$0x0] =	vst.idx.msk $0xffff, v1  }
0x1f1: {  	v1 =	vor.u32 $0x5, v4;
	v10 =	vld.idx.msk [tilespmem:v10+s20+$0x0], $0xffff  }
0x1f2: {  	v11 =	vor.u32 $0x6, v2;
	_ =	sdelay $0x3  }
0x1f3: {  	[tilespmem:v1+s23+$0x0] =	vst.idx.msk $0xffff, v10  }
0x1f4: {  	v39 =	vor.u32 $0x6, v4;
	v10 =	vld.idx.msk [tilespmem:v11+s20+$0x0], $0xffff  }
0x1f5: {  	v12 =	vor.u32 $0x7, v2;
	_ =	sdelay $0x3  }
0x1f6: {  	[tilespmem:v39+s23+$0x0] =	vst.idx.msk $0xffff, v10  }
0x1f7: {  	v40 =	vor.u32 $0x7, v4;
	v10 =	vld.idx.msk [tilespmem:v12+s20+$0x0], $0xffff  }
0x1f8: {  	v13 =	vor.u32 $0x8, v2;
	_ =	sdelay $0x3  }
0x1f9: {  	[tilespmem:v40+s23+$0x0] =	vst.idx.msk $0xffff, v10  }
0x1fa: {  	v41 =	vor.u32 $0x8, v4;
	v10 =	vld.idx.msk [tilespmem:v13+s20+$0x0], $0xffff  }
0x1fb: {  	v14 =	vor.u32 $0x9, v2;
	_ =	sdelay $0x3  }
0x1fc: {  	[tilespmem:v41+s23+$0x0] =	vst.idx.msk $0xffff, v10  }
0x1fd: {  	v42 =	vor.u32 $0x9, v4;
	v10 =	vld.idx.msk [tilespmem:v14+s20+$0x0], $0xffff  }
0x1fe: {  	v43 =	vor.u32 $0xA, v2;
	_ =	sdelay $0x3  }
0x1ff: {  	[tilespmem:v42+s23+$0x0] =	vst.idx.msk $0xffff, v10  }
0x200: {  	v44 =	vor.u32 $0xA, v4;
	v10 =	vld.idx.msk [tilespmem:v43+s20+$0x0], $0xffff  }
0x201: {  	v45 =	vor.u32 $0xB, v2;
	_ =	sdelay $0x3  }
0x202: {  	[tilespmem:v44+s23+$0x0] =	vst.idx.msk $0xffff, v10  }
0x203: {  	v46 =	vor.u32 $0xB, v4;
	v10 =	vld.idx.msk [tilespmem:v45+s20+$0x0], $0xffff  }
0x204: {  	v47 =	vor.u32 $0xC, v2;
	_ =	sdelay $0x3  }
0x205: {  	[tilespmem:v46+s23+$0x0] =	vst.idx.msk $0xffff, v10  }
0x206: {  	v48 =	vor.u32 $0xC, v4;
	v10 =	vld.idx.msk [tilespmem:v47+s20+$0x0], $0xffff  }
0x207: {  	v49 =	vor.u32 $0xD, v2;
	_ =	sdelay $0x3  }
0x208: {  	[tilespmem:v48+s23+$0x0] =	vst.idx.msk $0xffff, v10  }
0x209: {  	v50 =	vor.u32 $0xD, v4;
	v10 =	vld.idx.msk [tilespmem:v49+s20+$0x0], $0xffff  }
0x20a: {  	v51 =	vor.u32 $0xE, v2;
	_ =	sdelay $0x3  }
0x20b: {  	[tilespmem:v50+s23+$0x0] =	vst.idx.msk $0xffff, v10  }
0x20c: {  	v52 =	vor.u32 $0xE, v4;
	v10 =	vld.idx.msk [tilespmem:v51+s20+$0x0], $0xffff  }
0x20d: {  	v2 =	vor.u32 $0xF, v2;
	_ =	sdelay $0x3  }
0x20e: {  	[tilespmem:v52+s23+$0x0] =	vst.idx.msk $0xffff, v10  }
0x20f: {  	v6 =	vshll.u32 v6, $0x3;
	v53 =	vor.u32 $0xF, v4;
	v2 =	vld.idx.msk [tilespmem:v2+s20+$0x0], $0xffff  }
0x210: {  	v54 =	vadd.s32 $0x680, v6;
	_ =	sdelay $0x3  }
0x211: {  	[tilespmem:v53+s23+$0x0] =	vst.idx.msk $0xffff, v2  }
0x212: {  	v2 =	vld.idx.msk [tilespmem:v54+s20+$0x0], $0xffff  }
0x213: {  	v55 =	vadd.s32 $0x681, v6;
	_ =	sdelay $0x3  }
0x214: {  	[tilespmem:v4+s24+$0x0] =	vst.idx.msk $0xffff, v2  }
0x215: {  	v2 =	vld.idx.msk [tilespmem:v55+s20+$0x0], $0xffff  }
0x216: {  	v56 =	vadd.s32 $0x682, v6;
	_ =	sdelay $0x3  }
0x217: {  	[tilespmem:v3+s24+$0x0] =	vst.idx.msk $0xffff, v2  }
0x218: {  	v2 =	vld.idx.msk [tilespmem:v56+s20+$0x0], $0xffff  }
0x219: {  	v57 =	vadd.s32 $0x683, v6;
	_ =	sdelay $0x3  }
0x21a: {  	[tilespmem:v36+s24+$0x0] =	vst.idx.msk $0xffff, v2  }
0x21b: {  	v2 =	vld.idx.msk [tilespmem:v57+s20+$0x0], $0xffff  }
0x21c: {  	v58 =	vadd.s32 $0x684, v6;
	_ =	sdelay $0x3  }
0x21d: {  	[tilespmem:v37+s24+$0x0] =	vst.idx.msk $0xffff, v2  }
0x21e: {  	v2 =	vld.idx.msk [tilespmem:v58+s20+$0x0], $0xffff  }
0x21f: {  	v59 =	vadd.s32 $0x685, v6;
	_ =	sdelay $0x3  }
0x220: {  	[tilespmem:v38+s24+$0x0] =	vst.idx.msk $0xffff, v2  }
0x221: {  	v2 =	vld.idx.msk [tilespmem:v59+s20+$0x0], $0xffff  }
0x222: {  	v60 =	vadd.s32 $0x686, v6;
	_ =	sdelay $0x3  }
0x223: {  	[tilespmem:v1+s24+$0x0] =	vst.idx.msk $0xffff, v2  }
0x224: {  	v2 =	vld.idx.msk [tilespmem:v60+s20+$0x0], $0xffff  }
0x225: {  	v6 =	vadd.s32 $0x687, v6;
	_ =	sdelay $0x3  }
0x226: {  	v5 =	vmul.u32 $0x6, v5;
	[tilespmem:v39+s24+$0x0] =	vst.idx.msk $0xffff, v2  }
0x227: {  	v2 =	vld.idx.msk [tilespmem:v6+s20+$0x0], $0xffff  }
0x228: {  	v61 =	vadd.s32 $0x700, v5;
	_ =	sdelay $0x3  }
0x229: {  	[tilespmem:v40+s24+$0x0] =	vst.idx.msk $0xffff, v2  }
0x22a: {  	v2 =	vld.idx.msk [tilespmem:v61+s20+$0x0], $0xffff  }
0x22b: {  	v62 =	vadd.s32 $0x701, v5;
	_ =	sdelay $0x3  }
0x22c: {  	[tilespmem:v4+s25+$0x0] =	vst.idx.msk $0xffff, v2  }
0x22d: {  	v2 =	vld.idx.msk [tilespmem:v62+s20+$0x0], $0xffff  }
0x22e: {  	v63 =	vadd.s32 $0x702, v5;
	_ =	sdelay $0x3  }
0x22f: {  	[tilespmem:v3+s25+$0x0] =	vst.idx.msk $0xffff, v2  }
0x230: {  	v2 =	vld.idx.msk [tilespmem:v63+s20+$0x0], $0xffff  }
0x231: {  	v3 =	vadd.s32 $0x703, v5;
	_ =	sdelay $0x3  }
0x232: {  	[tilespmem:v36+s25+$0x0] =	vst.idx.msk $0xffff, v2  }
0x233: {  	v2 =	vld.idx.msk [tilespmem:v3+s20+$0x0], $0xffff  }
0x234: {  	v3 =	vadd.s32 $0x704, v5;
	_ =	sdelay $0x3  }
0x235: {  	[tilespmem:v37+s25+$0x0] =	vst.idx.msk $0xffff, v2  }
0x236: {  	v2 =	vld.idx.msk [tilespmem:v3+s20+$0x0], $0xffff  }
0x237: {  	v3 =	vadd.s32 $0x705, v5;
	_ =	sdelay $0x3  }
0x238: {  	[tilespmem:v38+s25+$0x0] =	vst.idx.msk $0xffff, v2  }
0x239: {  	s1 =	simm.s32 $0x10;
	v2 =	vld.idx.msk [tilespmem:v3+s20+$0x0], $0xffff  }
.LBB2_6:
0x23a: {  	_ =	sdelay $0x2  }
0x23b: {  	p0 =	sne.s32 s1, $0x70  }
0x23c: {  	s2 =	sadd.s32 $0x10, s2;
	s21 =	smov.u32 s1;
	s1 =	sadd.s32 $0x10, s1;
	[tilespmem:v1+s25+$0x0] =	vst.idx.msk $0xffff, v2  }
0x23d: {  	v1 =	vld [tilespmem:s2+$0xFFFFFC00];
	_ =	sdelay $0x4  }
0x23e: {  	v11 =	vshll.u32 v1, $0x4;
	_ =	sdelay $0x3  }
0x23f: {  	v1 =	vmov s21  }
0x240: {  	v1 =	vshll.u32 v1, $0x7;
	v2 =	vld.idx.msk [tilespmem:v11+s20+$0x0], $0xffff  }
0x241: {  	v3 =	vor.u32 v0, v1  }
0x242: {  	v1 =	vor.u32 $0x1, v11;
	_ =	sdelay $0x1  }
0x243: {  	v5 =	vld [tilespmem:s2+$0x0]  }
0x244: {  	v6 =	vld [tilespmem:s2+$0xFFFFFE00]  }
0x245: {  	[tilespmem:v3+s23+$0x0] =	vst.idx.msk $0xffff, v2  }
0x246: {  	v1 =	vld.idx.msk [tilespmem:v1+s20+$0x0], $0xffff  }
0x247: {  	v4 =	vor.u32 $0x1, v3  }
0x248: {  	v2 =	vmul.u32 $0x6, v5;
	v5 =	vor.u32 $0x2, v11  }
0x249: {  	v8 =	vshll.u32 v6, $0x3;
	_ =	sdelay $0x2  }
0x24a: {  	[tilespmem:v4+s23+$0x0] =	vst.idx.msk $0xffff, v1  }
0x24b: {  	v1 =	vld.idx.msk [tilespmem:v5+s20+$0x0], $0xffff  }
0x24c: {  	v5 =	vor.u32 $0x2, v3  }
0x24d: {  	v6 =	vor.u32 $0x3, v11;
	_ =	sdelay $0x3  }
0x24e: {  	[tilespmem:v5+s23+$0x0] =	vst.idx.msk $0xffff, v1  }
0x24f: {  	v1 =	vld.idx.msk [tilespmem:v6+s20+$0x0], $0xffff  }
0x250: {  	v6 =	vor.u32 $0x3, v3  }
0x251: {  	v7 =	vor.u32 $0x4, v11;
	_ =	sdelay $0x3  }
0x252: {  	[tilespmem:v6+s23+$0x0] =	vst.idx.msk $0xffff, v1  }
0x253: {  	v1 =	vld.idx.msk [tilespmem:v7+s20+$0x0], $0xffff  }
0x254: {  	v7 =	vor.u32 $0x4, v3  }
0x255: {  	v9 =	vor.u32 $0x5, v11;
	_ =	sdelay $0x3  }
0x256: {  	[tilespmem:v7+s23+$0x0] =	vst.idx.msk $0xffff, v1  }
0x257: {  	v9 =	vld.idx.msk [tilespmem:v9+s20+$0x0], $0xffff  }
0x258: {  	v1 =	vor.u32 $0x5, v3  }
0x259: {  	v10 =	vor.u32 $0x6, v11;
	_ =	sdelay $0x3  }
0x25a: {  	[tilespmem:v1+s23+$0x0] =	vst.idx.msk $0xffff, v9  }
0x25b: {  	v10 =	vld.idx.msk [tilespmem:v10+s20+$0x0], $0xffff  }
0x25c: {  	v9 =	vor.u32 $0x6, v3  }
0x25d: {  	v12 =	vor.u32 $0x7, v11;
	_ =	sdelay $0x3  }
0x25e: {  	[tilespmem:v9+s23+$0x0] =	vst.idx.msk $0xffff, v10  }
0x25f: {  	v12 =	vld.idx.msk [tilespmem:v12+s20+$0x0], $0xffff  }
0x260: {  	v10 =	vor.u32 $0x7, v3  }
0x261: {  	v13 =	vor.u32 $0x8, v11;
	_ =	sdelay $0x3  }
0x262: {  	[tilespmem:v10+s23+$0x0] =	vst.idx.msk $0xffff, v12  }
0x263: {  	v12 =	vld.idx.msk [tilespmem:v13+s20+$0x0], $0xffff  }
0x264: {  	v13 =	vor.u32 $0x8, v3  }
0x265: {  	v14 =	vor.u32 $0x9, v11;
	_ =	sdelay $0x3  }
0x266: {  	[tilespmem:v13+s23+$0x0] =	vst.idx.msk $0xffff, v12  }
0x267: {  	v12 =	vld.idx.msk [tilespmem:v14+s20+$0x0], $0xffff  }
0x268: {  	v13 =	vor.u32 $0x9, v3  }
0x269: {  	v14 =	vor.u32 $0xA, v11;
	_ =	sdelay $0x3  }
0x26a: {  	[tilespmem:v13+s23+$0x0] =	vst.idx.msk $0xffff, v12  }
0x26b: {  	v12 =	vld.idx.msk [tilespmem:v14+s20+$0x0], $0xffff  }
0x26c: {  	v13 =	vor.u32 $0xA, v3  }
0x26d: {  	v14 =	vor.u32 $0xB, v11;
	_ =	sdelay $0x3  }
0x26e: {  	[tilespmem:v13+s23+$0x0] =	vst.idx.msk $0xffff, v12  }
0x26f: {  	v12 =	vld.idx.msk [tilespmem:v14+s20+$0x0], $0xffff  }
0x270: {  	v13 =	vor.u32 $0xB, v3  }
0x271: {  	v14 =	vor.u32 $0xC, v11;
	_ =	sdelay $0x3  }
0x272: {  	[tilespmem:v13+s23+$0x0] =	vst.idx.msk $0xffff, v12  }
0x273: {  	v12 =	vld.idx.msk [tilespmem:v14+s20+$0x0], $0xffff  }
0x274: {  	v13 =	vor.u32 $0xC, v3  }
0x275: {  	v14 =	vor.u32 $0xD, v11;
	_ =	sdelay $0x3  }
0x276: {  	[tilespmem:v13+s23+$0x0] =	vst.idx.msk $0xffff, v12  }
0x277: {  	v12 =	vld.idx.msk [tilespmem:v14+s20+$0x0], $0xffff  }
0x278: {  	v13 =	vor.u32 $0xD, v3  }
0x279: {  	v14 =	vor.u32 $0xE, v11;
	_ =	sdelay $0x3  }
0x27a: {  	[tilespmem:v13+s23+$0x0] =	vst.idx.msk $0xffff, v12  }
0x27b: {  	v12 =	vld.idx.msk [tilespmem:v14+s20+$0x0], $0xffff  }
0x27c: {  	v13 =	vor.u32 $0xE, v3  }
0x27d: {  	v11 =	vor.u32 $0xF, v11;
	_ =	sdelay $0x3  }
0x27e: {  	[tilespmem:v13+s23+$0x0] =	vst.idx.msk $0xffff, v12  }
0x27f: {  	v11 =	vld.idx.msk [tilespmem:v11+s20+$0x0], $0xffff  }
0x280: {  	v12 =	vor.u32 $0xF, v3  }
0x281: {  	v13 =	vadd.s32 $0x680, v8;
	_ =	sdelay $0x3  }
0x282: {  	[tilespmem:v12+s23+$0x0] =	vst.idx.msk $0xffff, v11  }
0x283: {  	v11 =	vld.idx.msk [tilespmem:v13+s20+$0x0], $0xffff;
	_ =	sdelay $0x1  }
0x284: {  	v12 =	vadd.s32 $0x681, v8;
	_ =	sdelay $0x3  }
0x285: {  	[tilespmem:v3+s24+$0x0] =	vst.idx.msk $0xffff, v11  }
0x286: {  	v11 =	vld.idx.msk [tilespmem:v12+s20+$0x0], $0xffff;
	_ =	sdelay $0x1  }
0x287: {  	v12 =	vadd.s32 $0x682, v8;
	_ =	sdelay $0x3  }
0x288: {  	[tilespmem:v4+s24+$0x0] =	vst.idx.msk $0xffff, v11  }
0x289: {  	v11 =	vld.idx.msk [tilespmem:v12+s20+$0x0], $0xffff;
	_ =	sdelay $0x1  }
0x28a: {  	v12 =	vadd.s32 $0x683, v8;
	_ =	sdelay $0x3  }
0x28b: {  	[tilespmem:v5+s24+$0x0] =	vst.idx.msk $0xffff, v11  }
0x28c: {  	v11 =	vld.idx.msk [tilespmem:v12+s20+$0x0], $0xffff;
	_ =	sdelay $0x1  }
0x28d: {  	v12 =	vadd.s32 $0x684, v8;
	_ =	sdelay $0x3  }
0x28e: {  	[tilespmem:v6+s24+$0x0] =	vst.idx.msk $0xffff, v11  }
0x28f: {  	v11 =	vld.idx.msk [tilespmem:v12+s20+$0x0], $0xffff;
	_ =	sdelay $0x1  }
0x290: {  	v12 =	vadd.s32 $0x685, v8;
	_ =	sdelay $0x3  }
0x291: {  	[tilespmem:v7+s24+$0x0] =	vst.idx.msk $0xffff, v11  }
0x292: {  	v11 =	vld.idx.msk [tilespmem:v12+s20+$0x0], $0xffff;
	_ =	sdelay $0x1  }
0x293: {  	v12 =	vadd.s32 $0x686, v8;
	_ =	sdelay $0x3  }
0x294: {  	[tilespmem:v1+s24+$0x0] =	vst.idx.msk $0xffff, v11  }
0x295: {  	v11 =	vld.idx.msk [tilespmem:v12+s20+$0x0], $0xffff;
	_ =	sdelay $0x1  }
0x296: {  	v8 =	vadd.s32 $0x687, v8;
	_ =	sdelay $0x3  }
0x297: {  	[tilespmem:v9+s24+$0x0] =	vst.idx.msk $0xffff, v11  }
0x298: {  	v8 =	vld.idx.msk [tilespmem:v8+s20+$0x0], $0xffff;
	_ =	sdelay $0x1  }
0x299: {  	v9 =	vadd.s32 $0x700, v2;
	_ =	sdelay $0x3  }
0x29a: {  	[tilespmem:v10+s24+$0x0] =	vst.idx.msk $0xffff, v8  }
0x29b: {  	v8 =	vld.idx.msk [tilespmem:v9+s20+$0x0], $0xffff;
	_ =	sdelay $0x1  }
0x29c: {  	v9 =	vadd.s32 $0x701, v2;
	_ =	sdelay $0x3  }
0x29d: {  	[tilespmem:v3+s25+$0x0] =	vst.idx.msk $0xffff, v8  }
0x29e: {  	v3 =	vld.idx.msk [tilespmem:v9+s20+$0x0], $0xffff;
	_ =	sdelay $0x1  }
0x29f: {  	v8 =	vadd.s32 $0x702, v2;
	_ =	sdelay $0x3  }
0x2a0: {  	[tilespmem:v4+s25+$0x0] =	vst.idx.msk $0xffff, v3  }
0x2a1: {  	v3 =	vld.idx.msk [tilespmem:v8+s20+$0x0], $0xffff;
	_ =	sdelay $0x1  }
0x2a2: {  	v4 =	vadd.s32 $0x703, v2;
	_ =	sdelay $0x3  }
0x2a3: {  	[tilespmem:v5+s25+$0x0] =	vst.idx.msk $0xffff, v3  }
0x2a4: {  	v3 =	vld.idx.msk [tilespmem:v4+s20+$0x0], $0xffff;
	_ =	sdelay $0x1  }
0x2a5: {  	v4 =	vadd.s32 $0x704, v2;
	_ =	sdelay $0x3  }
0x2a6: {  	[tilespmem:v6+s25+$0x0] =	vst.idx.msk $0xffff, v3  }
0x2a7: {  	v3 =	vld.idx.msk [tilespmem:v4+s20+$0x0], $0xffff;
	_ =	sdelay $0x1  }
0x2a8: {  	v2 =	vadd.s32 $0x705, v2  }
.Ltmp2:
0x2a9: {  	(pc) =	sbr.rel @p0 .LBB2_6-.Ltmp2, $3  }
0x2aa: {  	_ =	sdelay $0x1  }
0x2ab: {  	[tilespmem:v7+s25+$0x0] =	vst.idx.msk $0xffff, v3  }
0x2ac: {  	v2 =	vld.idx.msk [tilespmem:v2+s20+$0x0], $0xffff  }
0x2ad: {  	_ =	sdelay $0x3  }
0x2ae: {  	s1 =	simm.s32 $0x0;
	[tilespmem:v1+s25+$0x0] =	vst.idx.msk $0xffff, v2  }
0x2af: {  	[hbm4b:s13+s1] =	stream.linear.scatter [tilespmem:s23], [sflag:$0x2], $0x4000, $0x38;
	[tilespmem:$0x18E80] =	vst v63  }
0x2b0: {  	_ = 	snop  }
0x2b1: {  	[hbm4b:s14+s1] =	stream.linear.scatter [tilespmem:s24], [sflag:$0x2], $0x4000, $0x38;
	[tilespmem:$0x18E80] =	vst v63  }
0x2b2: {  	_ = 	snop  }
0x2b3: {  	[hbm4b:s15+s1] =	stream.linear.scatter [tilespmem:s25], [sflag:$0x2], $0x4000, $0x38;
	[tilespmem:$0x18E80] =	vst v63  }
0x2b4: {  	_ =	swait.ge [sflag:s31], $0x4000  }
0x2b5: {  	[sflag:s31] =	ssyncset.done $0x0  }
0x2b6: {  	[sflag:s31] =	ssyncadd.s32 $0xFFFFC000  }
0x2b7: {  	_ =	swait.ge [sflag:s31], $0x4000  }
0x2b8: {  	[sflag:s31] =	ssyncset.done $0x0  }
0x2b9: {  	[sflag:s31] =	ssyncadd.s32 $0xFFFFC000  }
0x2ba: {  	_ =	swait.ge [sflag:s31], $0x4000  }
0x2bb: {  	[sflag:s31] =	ssyncset.done $0x0  }
0x2bc: {  	s2 =	simm.s32 $0x580;
	[sflag:s31] =	ssyncadd.s32 $0xFFFFC000  }
0x2bd: {  	v1 =	vld [tilespmem:s2+$0xFFFFFC00];
	_ =	sdelay $0x4  }
0x2be: {  	v2 =	vshll.u32 v1, $0x4;
	_ =	sdelay $0x2  }
0x2bf: {  	v1 =	vmov s1  }
0x2c0: {  	v1 =	vshll.u32 v1, $0x7  }
0x2c1: {  	v4 =	vor.u32 v0, v1;
	v3 =	vld.idx.msk [tilespmem:v2+s20+$0x0], $0xffff  }
0x2c2: {  	v1 =	vor.u32 $0x1, v2;
	_ =	sdelay $0x2  }
0x2c3: {  	v5 =	vld [tilespmem:s2+$0x0]  }
0x2c4: {  	v6 =	vld [tilespmem:s2+$0xFFFFFE00];
	[tilespmem:v4+s26+$0x0] =	vst.idx.msk $0xffff, v3  }
0x2c5: {  	v3 =	vor.u32 $0x1, v4;
	v1 =	vld.idx.msk [tilespmem:v1+s20+$0x0], $0xffff  }
0x2c6: {  	v7 =	vor.u32 $0x2, v2;
	_ =	sdelay $0x3  }
0x2c7: {  	[tilespmem:v3+s26+$0x0] =	vst.idx.msk $0xffff, v1  }
0x2c8: {  	v36 =	vor.u32 $0x2, v4;
	v1 =	vld.idx.msk [tilespmem:v7+s20+$0x0], $0xffff  }
0x2c9: {  	v8 =	vor.u32 $0x3, v2;
	_ =	sdelay $0x3  }
0x2ca: {  	[tilespmem:v36+s26+$0x0] =	vst.idx.msk $0xffff, v1  }
0x2cb: {  	v37 =	vor.u32 $0x3, v4;
	v1 =	vld.idx.msk [tilespmem:v8+s20+$0x0], $0xffff  }
0x2cc: {  	v9 =	vor.u32 $0x4, v2;
	_ =	sdelay $0x3  }
0x2cd: {  	[tilespmem:v37+s26+$0x0] =	vst.idx.msk $0xffff, v1  }
0x2ce: {  	v38 =	vor.u32 $0x4, v4;
	v1 =	vld.idx.msk [tilespmem:v9+s20+$0x0], $0xffff  }
0x2cf: {  	v10 =	vor.u32 $0x5, v2;
	_ =	sdelay $0x3  }
0x2d0: {  	[tilespmem:v38+s26+$0x0] =	vst.idx.msk $0xffff, v1  }
0x2d1: {  	v1 =	vor.u32 $0x5, v4;
	v10 =	vld.idx.msk [tilespmem:v10+s20+$0x0], $0xffff  }
0x2d2: {  	v11 =	vor.u32 $0x6, v2;
	_ =	sdelay $0x3  }
0x2d3: {  	[tilespmem:v1+s26+$0x0] =	vst.idx.msk $0xffff, v10  }
0x2d4: {  	v39 =	vor.u32 $0x6, v4;
	v10 =	vld.idx.msk [tilespmem:v11+s20+$0x0], $0xffff  }
0x2d5: {  	v12 =	vor.u32 $0x7, v2;
	_ =	sdelay $0x3  }
0x2d6: {  	[tilespmem:v39+s26+$0x0] =	vst.idx.msk $0xffff, v10  }
0x2d7: {  	v40 =	vor.u32 $0x7, v4;
	v10 =	vld.idx.msk [tilespmem:v12+s20+$0x0], $0xffff  }
0x2d8: {  	v13 =	vor.u32 $0x8, v2;
	_ =	sdelay $0x3  }
0x2d9: {  	[tilespmem:v40+s26+$0x0] =	vst.idx.msk $0xffff, v10  }
0x2da: {  	v41 =	vor.u32 $0x8, v4;
	v10 =	vld.idx.msk [tilespmem:v13+s20+$0x0], $0xffff  }
0x2db: {  	v14 =	vor.u32 $0x9, v2;
	_ =	sdelay $0x3  }
0x2dc: {  	[tilespmem:v41+s26+$0x0] =	vst.idx.msk $0xffff, v10  }
0x2dd: {  	v42 =	vor.u32 $0x9, v4;
	v10 =	vld.idx.msk [tilespmem:v14+s20+$0x0], $0xffff  }
0x2de: {  	v43 =	vor.u32 $0xA, v2;
	_ =	sdelay $0x3  }
0x2df: {  	[tilespmem:v42+s26+$0x0] =	vst.idx.msk $0xffff, v10  }
0x2e0: {  	v44 =	vor.u32 $0xA, v4;
	v10 =	vld.idx.msk [tilespmem:v43+s20+$0x0], $0xffff  }
0x2e1: {  	v45 =	vor.u32 $0xB, v2;
	_ =	sdelay $0x3  }
0x2e2: {  	[tilespmem:v44+s26+$0x0] =	vst.idx.msk $0xffff, v10  }
0x2e3: {  	v46 =	vor.u32 $0xB, v4;
	v10 =	vld.idx.msk [tilespmem:v45+s20+$0x0], $0xffff  }
0x2e4: {  	v47 =	vor.u32 $0xC, v2;
	_ =	sdelay $0x3  }
0x2e5: {  	[tilespmem:v46+s26+$0x0] =	vst.idx.msk $0xffff, v10  }
0x2e6: {  	v48 =	vor.u32 $0xC, v4;
	v10 =	vld.idx.msk [tilespmem:v47+s20+$0x0], $0xffff  }
0x2e7: {  	v49 =	vor.u32 $0xD, v2;
	_ =	sdelay $0x3  }
0x2e8: {  	[tilespmem:v48+s26+$0x0] =	vst.idx.msk $0xffff, v10  }
0x2e9: {  	v50 =	vor.u32 $0xD, v4;
	v10 =	vld.idx.msk [tilespmem:v49+s20+$0x0], $0xffff  }
0x2ea: {  	v51 =	vor.u32 $0xE, v2;
	_ =	sdelay $0x3  }
0x2eb: {  	[tilespmem:v50+s26+$0x0] =	vst.idx.msk $0xffff, v10  }
0x2ec: {  	v52 =	vor.u32 $0xE, v4;
	v10 =	vld.idx.msk [tilespmem:v51+s20+$0x0], $0xffff  }
0x2ed: {  	v2 =	vor.u32 $0xF, v2;
	_ =	sdelay $0x3  }
0x2ee: {  	[tilespmem:v52+s26+$0x0] =	vst.idx.msk $0xffff, v10  }
0x2ef: {  	v6 =	vshll.u32 v6, $0x3;
	v53 =	vor.u32 $0xF, v4;
	v2 =	vld.idx.msk [tilespmem:v2+s20+$0x0], $0xffff  }
0x2f0: {  	v54 =	vadd.s32 $0x680, v6;
	_ =	sdelay $0x3  }
0x2f1: {  	[tilespmem:v53+s26+$0x0] =	vst.idx.msk $0xffff, v2  }
0x2f2: {  	v2 =	vld.idx.msk [tilespmem:v54+s20+$0x0], $0xffff  }
0x2f3: {  	v55 =	vadd.s32 $0x681, v6;
	_ =	sdelay $0x3  }
0x2f4: {  	[tilespmem:v4+s28+$0x0] =	vst.idx.msk $0xffff, v2  }
0x2f5: {  	v2 =	vld.idx.msk [tilespmem:v55+s20+$0x0], $0xffff  }
0x2f6: {  	v56 =	vadd.s32 $0x682, v6;
	_ =	sdelay $0x3  }
0x2f7: {  	[tilespmem:v3+s28+$0x0] =	vst.idx.msk $0xffff, v2  }
0x2f8: {  	v2 =	vld.idx.msk [tilespmem:v56+s20+$0x0], $0xffff  }
0x2f9: {  	v57 =	vadd.s32 $0x683, v6;
	_ =	sdelay $0x3  }
0x2fa: {  	[tilespmem:v36+s28+$0x0] =	vst.idx.msk $0xffff, v2  }
0x2fb: {  	v2 =	vld.idx.msk [tilespmem:v57+s20+$0x0], $0xffff  }
0x2fc: {  	v58 =	vadd.s32 $0x684, v6;
	_ =	sdelay $0x3  }
0x2fd: {  	[tilespmem:v37+s28+$0x0] =	vst.idx.msk $0xffff, v2  }
0x2fe: {  	v2 =	vld.idx.msk [tilespmem:v58+s20+$0x0], $0xffff  }
0x2ff: {  	v59 =	vadd.s32 $0x685, v6;
	_ =	sdelay $0x3  }
0x300: {  	[tilespmem:v38+s28+$0x0] =	vst.idx.msk $0xffff, v2  }
0x301: {  	v2 =	vld.idx.msk [tilespmem:v59+s20+$0x0], $0xffff  }
0x302: {  	v60 =	vadd.s32 $0x686, v6;
	_ =	sdelay $0x3  }
0x303: {  	[tilespmem:v1+s28+$0x0] =	vst.idx.msk $0xffff, v2  }
0x304: {  	v2 =	vld.idx.msk [tilespmem:v60+s20+$0x0], $0xffff  }
0x305: {  	v6 =	vadd.s32 $0x687, v6;
	_ =	sdelay $0x3  }
0x306: {  	v5 =	vmul.u32 $0x6, v5;
	[tilespmem:v39+s28+$0x0] =	vst.idx.msk $0xffff, v2  }
0x307: {  	v2 =	vld.idx.msk [tilespmem:v6+s20+$0x0], $0xffff  }
0x308: {  	v61 =	vadd.s32 $0x700, v5;
	_ =	sdelay $0x3  }
0x309: {  	[tilespmem:v40+s28+$0x0] =	vst.idx.msk $0xffff, v2  }
0x30a: {  	v2 =	vld.idx.msk [tilespmem:v61+s20+$0x0], $0xffff  }
0x30b: {  	v62 =	vadd.s32 $0x701, v5;
	_ =	sdelay $0x3  }
0x30c: {  	[tilespmem:v4+s29+$0x0] =	vst.idx.msk $0xffff, v2  }
0x30d: {  	v2 =	vld.idx.msk [tilespmem:v62+s20+$0x0], $0xffff  }
0x30e: {  	v63 =	vadd.s32 $0x702, v5;
	_ =	sdelay $0x3  }
0x30f: {  	[tilespmem:v3+s29+$0x0] =	vst.idx.msk $0xffff, v2  }
0x310: {  	v2 =	vld.idx.msk [tilespmem:v63+s20+$0x0], $0xffff  }
0x311: {  	v3 =	vadd.s32 $0x703, v5;
	_ =	sdelay $0x3  }
0x312: {  	[tilespmem:v36+s29+$0x0] =	vst.idx.msk $0xffff, v2  }
0x313: {  	v2 =	vld.idx.msk [tilespmem:v3+s20+$0x0], $0xffff  }
0x314: {  	v3 =	vadd.s32 $0x704, v5;
	_ =	sdelay $0x3  }
0x315: {  	[tilespmem:v37+s29+$0x0] =	vst.idx.msk $0xffff, v2  }
0x316: {  	v2 =	vld.idx.msk [tilespmem:v3+s20+$0x0], $0xffff  }
0x317: {  	v3 =	vadd.s32 $0x705, v5;
	_ =	sdelay $0x3  }
0x318: {  	[tilespmem:v38+s29+$0x0] =	vst.idx.msk $0xffff, v2  }
0x319: {  	s1 =	simm.s32 $0x10;
	v2 =	vld.idx.msk [tilespmem:v3+s20+$0x0], $0xffff  }
.LBB2_8:
0x31a: {  	_ =	sdelay $0x2  }
0x31b: {  	p0 =	sne.s32 s1, $0x70  }
0x31c: {  	s2 =	sadd.s32 $0x10, s2;
	s21 =	smov.u32 s1;
	s1 =	sadd.s32 $0x10, s1;
	[tilespmem:v1+s29+$0x0] =	vst.idx.msk $0xffff, v2  }
0x31d: {  	v1 =	vld [tilespmem:s2+$0xFFFFFC00];
	_ =	sdelay $0x4  }
0x31e: {  	v11 =	vshll.u32 v1, $0x4;
	_ =	sdelay $0x3  }
0x31f: {  	v1 =	vmov s21  }
0x320: {  	v1 =	vshll.u32 v1, $0x7;
	v2 =	vld.idx.msk [tilespmem:v11+s20+$0x0], $0xffff  }
0x321: {  	v3 =	vor.u32 v0, v1  }
0x322: {  	v1 =	vor.u32 $0x1, v11;
	_ =	sdelay $0x1  }
0x323: {  	v5 =	vld [tilespmem:s2+$0x0]  }
0x324: {  	v6 =	vld [tilespmem:s2+$0xFFFFFE00]  }
0x325: {  	[tilespmem:v3+s26+$0x0] =	vst.idx.msk $0xffff, v2  }
0x326: {  	v1 =	vld.idx.msk [tilespmem:v1+s20+$0x0], $0xffff  }
0x327: {  	v4 =	vor.u32 $0x1, v3  }
0x328: {  	v2 =	vmul.u32 $0x6, v5;
	v5 =	vor.u32 $0x2, v11  }
0x329: {  	v8 =	vshll.u32 v6, $0x3;
	_ =	sdelay $0x2  }
0x32a: {  	[tilespmem:v4+s26+$0x0] =	vst.idx.msk $0xffff, v1  }
0x32b: {  	v1 =	vld.idx.msk [tilespmem:v5+s20+$0x0], $0xffff  }
0x32c: {  	v5 =	vor.u32 $0x2, v3  }
0x32d: {  	v6 =	vor.u32 $0x3, v11;
	_ =	sdelay $0x3  }
0x32e: {  	[tilespmem:v5+s26+$0x0] =	vst.idx.msk $0xffff, v1  }
0x32f: {  	v1 =	vld.idx.msk [tilespmem:v6+s20+$0x0], $0xffff  }
0x330: {  	v6 =	vor.u32 $0x3, v3  }
0x331: {  	v7 =	vor.u32 $0x4, v11;
	_ =	sdelay $0x3  }
0x332: {  	[tilespmem:v6+s26+$0x0] =	vst.idx.msk $0xffff, v1  }
0x333: {  	v1 =	vld.idx.msk [tilespmem:v7+s20+$0x0], $0xffff  }
0x334: {  	v7 =	vor.u32 $0x4, v3  }
0x335: {  	v9 =	vor.u32 $0x5, v11;
	_ =	sdelay $0x3  }
0x336: {  	[tilespmem:v7+s26+$0x0] =	vst.idx.msk $0xffff, v1  }
0x337: {  	v9 =	vld.idx.msk [tilespmem:v9+s20+$0x0], $0xffff  }
0x338: {  	v1 =	vor.u32 $0x5, v3  }
0x339: {  	v10 =	vor.u32 $0x6, v11;
	_ =	sdelay $0x3  }
0x33a: {  	[tilespmem:v1+s26+$0x0] =	vst.idx.msk $0xffff, v9  }
0x33b: {  	v10 =	vld.idx.msk [tilespmem:v10+s20+$0x0], $0xffff  }
0x33c: {  	v9 =	vor.u32 $0x6, v3  }
0x33d: {  	v12 =	vor.u32 $0x7, v11;
	_ =	sdelay $0x3  }
0x33e: {  	[tilespmem:v9+s26+$0x0] =	vst.idx.msk $0xffff, v10  }
0x33f: {  	v12 =	vld.idx.msk [tilespmem:v12+s20+$0x0], $0xffff  }
0x340: {  	v10 =	vor.u32 $0x7, v3  }
0x341: {  	v13 =	vor.u32 $0x8, v11;
	_ =	sdelay $0x3  }
0x342: {  	[tilespmem:v10+s26+$0x0] =	vst.idx.msk $0xffff, v12  }
0x343: {  	v12 =	vld.idx.msk [tilespmem:v13+s20+$0x0], $0xffff  }
0x344: {  	v13 =	vor.u32 $0x8, v3  }
0x345: {  	v14 =	vor.u32 $0x9, v11;
	_ =	sdelay $0x3  }
0x346: {  	[tilespmem:v13+s26+$0x0] =	vst.idx.msk $0xffff, v12  }
0x347: {  	v12 =	vld.idx.msk [tilespmem:v14+s20+$0x0], $0xffff  }
0x348: {  	v13 =	vor.u32 $0x9, v3  }
0x349: {  	v14 =	vor.u32 $0xA, v11;
	_ =	sdelay $0x3  }
0x34a: {  	[tilespmem:v13+s26+$0x0] =	vst.idx.msk $0xffff, v12  }
0x34b: {  	v12 =	vld.idx.msk [tilespmem:v14+s20+$0x0], $0xffff  }
0x34c: {  	v13 =	vor.u32 $0xA, v3  }
0x34d: {  	v14 =	vor.u32 $0xB, v11;
	_ =	sdelay $0x3  }
0x34e: {  	[tilespmem:v13+s26+$0x0] =	vst.idx.msk $0xffff, v12  }
0x34f: {  	v12 =	vld.idx.msk [tilespmem:v14+s20+$0x0], $0xffff  }
0x350: {  	v13 =	vor.u32 $0xB, v3  }
0x351: {  	v14 =	vor.u32 $0xC, v11;
	_ =	sdelay $0x3  }
0x352: {  	[tilespmem:v13+s26+$0x0] =	vst.idx.msk $0xffff, v12  }
0x353: {  	v12 =	vld.idx.msk [tilespmem:v14+s20+$0x0], $0xffff  }
0x354: {  	v13 =	vor.u32 $0xC, v3  }
0x355: {  	v14 =	vor.u32 $0xD, v11;
	_ =	sdelay $0x3  }
0x356: {  	[tilespmem:v13+s26+$0x0] =	vst.idx.msk $0xffff, v12  }
0x357: {  	v12 =	vld.idx.msk [tilespmem:v14+s20+$0x0], $0xffff  }
0x358: {  	v13 =	vor.u32 $0xD, v3  }
0x359: {  	v14 =	vor.u32 $0xE, v11;
	_ =	sdelay $0x3  }
0x35a: {  	[tilespmem:v13+s26+$0x0] =	vst.idx.msk $0xffff, v12  }
0x35b: {  	v12 =	vld.idx.msk [tilespmem:v14+s20+$0x0], $0xffff  }
0x35c: {  	v13 =	vor.u32 $0xE, v3  }
0x35d: {  	v11 =	vor.u32 $0xF, v11;
	_ =	sdelay $0x3  }
0x35e: {  	[tilespmem:v13+s26+$0x0] =	vst.idx.msk $0xffff, v12  }
0x35f: {  	v11 =	vld.idx.msk [tilespmem:v11+s20+$0x0], $0xffff  }
0x360: {  	v12 =	vor.u32 $0xF, v3  }
0x361: {  	v13 =	vadd.s32 $0x680, v8;
	_ =	sdelay $0x3  }
0x362: {  	[tilespmem:v12+s26+$0x0] =	vst.idx.msk $0xffff, v11  }
0x363: {  	v11 =	vld.idx.msk [tilespmem:v13+s20+$0x0], $0xffff;
	_ =	sdelay $0x1  }
0x364: {  	v12 =	vadd.s32 $0x681, v8;
	_ =	sdelay $0x3  }
0x365: {  	[tilespmem:v3+s28+$0x0] =	vst.idx.msk $0xffff, v11  }
0x366: {  	v11 =	vld.idx.msk [tilespmem:v12+s20+$0x0], $0xffff;
	_ =	sdelay $0x1  }
0x367: {  	v12 =	vadd.s32 $0x682, v8;
	_ =	sdelay $0x3  }
0x368: {  	[tilespmem:v4+s28+$0x0] =	vst.idx.msk $0xffff, v11  }
0x369: {  	v11 =	vld.idx.msk [tilespmem:v12+s20+$0x0], $0xffff;
	_ =	sdelay $0x1  }
0x36a: {  	v12 =	vadd.s32 $0x683, v8;
	_ =	sdelay $0x3  }
0x36b: {  	[tilespmem:v5+s28+$0x0] =	vst.idx.msk $0xffff, v11  }
0x36c: {  	v11 =	vld.idx.msk [tilespmem:v12+s20+$0x0], $0xffff;
	_ =	sdelay $0x1  }
0x36d: {  	v12 =	vadd.s32 $0x684, v8;
	_ =	sdelay $0x3  }
0x36e: {  	[tilespmem:v6+s28+$0x0] =	vst.idx.msk $0xffff, v11  }
0x36f: {  	v11 =	vld.idx.msk [tilespmem:v12+s20+$0x0], $0xffff;
	_ =	sdelay $0x1  }
0x370: {  	v12 =	vadd.s32 $0x685, v8;
	_ =	sdelay $0x3  }
0x371: {  	[tilespmem:v7+s28+$0x0] =	vst.idx.msk $0xffff, v11  }
0x372: {  	v11 =	vld.idx.msk [tilespmem:v12+s20+$0x0], $0xffff;
	_ =	sdelay $0x1  }
0x373: {  	v12 =	vadd.s32 $0x686, v8;
	_ =	sdelay $0x3  }
0x374: {  	[tilespmem:v1+s28+$0x0] =	vst.idx.msk $0xffff, v11  }
0x375: {  	v11 =	vld.idx.msk [tilespmem:v12+s20+$0x0], $0xffff;
	_ =	sdelay $0x1  }
0x376: {  	v8 =	vadd.s32 $0x687, v8;
	_ =	sdelay $0x3  }
0x377: {  	[tilespmem:v9+s28+$0x0] =	vst.idx.msk $0xffff, v11  }
0x378: {  	v8 =	vld.idx.msk [tilespmem:v8+s20+$0x0], $0xffff;
	_ =	sdelay $0x1  }
0x379: {  	v9 =	vadd.s32 $0x700, v2;
	_ =	sdelay $0x3  }
0x37a: {  	[tilespmem:v10+s28+$0x0] =	vst.idx.msk $0xffff, v8  }
0x37b: {  	v8 =	vld.idx.msk [tilespmem:v9+s20+$0x0], $0xffff;
	_ =	sdelay $0x1  }
0x37c: {  	v9 =	vadd.s32 $0x701, v2;
	_ =	sdelay $0x3  }
0x37d: {  	[tilespmem:v3+s29+$0x0] =	vst.idx.msk $0xffff, v8  }
0x37e: {  	v3 =	vld.idx.msk [tilespmem:v9+s20+$0x0], $0xffff;
	_ =	sdelay $0x1  }
0x37f: {  	v8 =	vadd.s32 $0x702, v2;
	_ =	sdelay $0x3  }
0x380: {  	[tilespmem:v4+s29+$0x0] =	vst.idx.msk $0xffff, v3  }
0x381: {  	v3 =	vld.idx.msk [tilespmem:v8+s20+$0x0], $0xffff;
	_ =	sdelay $0x1  }
0x382: {  	v4 =	vadd.s32 $0x703, v2;
	_ =	sdelay $0x3  }
0x383: {  	[tilespmem:v5+s29+$0x0] =	vst.idx.msk $0xffff, v3  }
0x384: {  	v3 =	vld.idx.msk [tilespmem:v4+s20+$0x0], $0xffff;
	_ =	sdelay $0x1  }
0x385: {  	v4 =	vadd.s32 $0x704, v2;
	_ =	sdelay $0x3  }
0x386: {  	[tilespmem:v6+s29+$0x0] =	vst.idx.msk $0xffff, v3  }
0x387: {  	v3 =	vld.idx.msk [tilespmem:v4+s20+$0x0], $0xffff;
	_ =	sdelay $0x1  }
0x388: {  	v2 =	vadd.s32 $0x705, v2  }
.Ltmp3:
0x389: {  	(pc) =	sbr.rel @p0 .LBB2_8-.Ltmp3, $3  }
0x38a: {  	_ =	sdelay $0x1  }
0x38b: {  	[tilespmem:v7+s29+$0x0] =	vst.idx.msk $0xffff, v3  }
0x38c: {  	v2 =	vld.idx.msk [tilespmem:v2+s20+$0x0], $0xffff  }
0x38d: {  	_ =	sdelay $0x3  }
0x38e: {  	[tilespmem:v1+s29+$0x0] =	vst.idx.msk $0xffff, v2  }
0x38f: {  	[hbm4b:s16+s3] =	stream.linear.scatter [tilespmem:s26], [sflag:$0x3], $0x4000, $0x38;
	[tilespmem:$0x18E80] =	vst v63  }
0x390: {  	_ = 	snop  }
0x391: {  	[hbm4b:s17+s3] =	stream.linear.scatter [tilespmem:s28], [sflag:$0x3], $0x4000, $0x38;
	[tilespmem:$0x18E80] =	vst v63  }
0x392: {  	_ = 	snop  }
0x393: {  	[hbm4b:s18+s3] =	stream.linear.scatter [tilespmem:s29], [sflag:$0x3], $0x4000, $0x38;
	[tilespmem:$0x18E80] =	vst v63  }
0x394: {  	_ =	swait.ge [sflag:s30], $0x4000  }
0x395: {  	[sflag:s30] =	ssyncset.done $0x0  }
0x396: {  	[sflag:s30] =	ssyncadd.s32 $0xFFFFC000  }
0x397: {  	_ =	swait.ge [sflag:s30], $0x4000  }
0x398: {  	[sflag:s30] =	ssyncset.done $0x0  }
0x399: {  	[sflag:s30] =	ssyncadd.s32 $0xFFFFC000  }
0x39a: {  	_ =	swait.ge [sflag:s30], $0x4000  }
0x39b: {  	[sflag:s30] =	ssyncset.done $0x0  }
0x39c: {  	[sflag:s30] =	ssyncadd.s32 $0xFFFFC000  }
0x39d: {  	_ =	swait.ge [sflag:s31], $0x4000  }
0x39e: {  	[sflag:s31] =	ssyncset.done $0x0  }
0x39f: {  	s0 =	sadd.s32 $0x1, s0;
	[sflag:s31] =	ssyncadd.s32 $0xFFFFC000  }
0x3a0: {  	p0 =	sne.s32 s0, s19;
	_ =	swait.ge [sflag:s31], $0x4000  }
.Ltmp4:
0x3a1: {  	[sflag:s31] =	ssyncset.done $0x0;
	(pc) =	sbr.rel @p0 .LBB2_1-.Ltmp4, $4  }
0x3a2: {  	[sflag:s31] =	ssyncadd.s32 $0xFFFFC000  }
0x3a3: {  	_ =	swait.ge [sflag:s31], $0x4000  }
0x3a4: {  	[sflag:s31] =	ssyncset.done $0x0  }
0x3a5: {  	[sflag:s31] =	ssyncadd.s32 $0xFFFFC000  }
0x3a6: {  	_ =	sfence.sel $0x180000  }
0x3a7: {  	[bflag:$0x0] =	sbarrier.arrive $0xFFFF  }
0x3a8: {  	_ =	strace $0x90000047  }
0x3a9: {  	s0 =	stileid.u32;
	[bflag:$0x2] =	sbarrier.arrive $0xFFFF  }
0x3aa: {  	p0 =	sne.s32 s0, $0x0;
	s0 =	rddreg [dreg:$0x3]  }
0x3ab: {  	s0 =	sadd.s32 @!p0 $0x100000, s0  }
0x3ac: {  	[sflag:s0] =	ssyncadd.tile.s32 @!p0 $0x1;
	_ =	shalt  }
.Lfunc_end2:
_tile_overlayer_lowered:
.L_overlay_start_2:
0x3ad: {  	(tag) =	ssettag $0x2  }
0x3ae: {  	s0 =	rddreg [dreg:$0x0];
	s2 =	stileid.u32  }
0x3af: {  	s1 =	rddreg [dreg:$0x1];
	p0 =	sne.s32 s2, $0x0  }
0x3b0: {  	s3 =	rddreg [dreg:$0x2];
	[bflag:$0x3] =	sbarrier.arrive $0xFFFF;
	s2 =	simm.s32 @!p0 $0x1C04  }
0x3b1: {  	[timem:s3], [sflag:s2] =	dma.local @!p0 [hbm:s0], s1  }
0x3b2: {  	s0 =	simm.s32 @!p0 $0x4  }
0x3b3: {  	_ =	swait.ge @!p0 [sflag:s0], s1  }
0x3b4: {  	s1 =	ssub.s32 @!p0 $0x0, s1;
	[sflag:s0] =	ssyncset.done @!p0 $0x0  }
0x3b5: {  	[sflag:s0] =	ssyncadd.s32 @!p0 s1  }
0x3b6: {  	[bflag:$0x3] =	sbarrier.arrive $0xFFFF  }
0x3b7: {  	_ =	shalt  }

</sc_bundles>
